<compile_context>
chip_gen: v7x
topology: tpu7x:2x2x1
jax: 0.10.2.dev20260603
libtpu: 0.0.44.dev20260713+nightly
codegen_flags: <defaults>
</compile_context>

<pallas_src>
import functools

import jax
import jax.numpy as jnp
from jax import lax
from jax.experimental import pallas as pl
from jax.experimental.pallas import tpu as pltpu
from jax.experimental.pallas import tpu_sc as plsc

_SUBSET = 8
_N = 2


def _num_reduced_states(m, n_max):
    import math

    return sum(math.comb(m + n - 1, n) for n in range(n_max + 1))


def kernel(rho, indices, num_segments):
    B, D, _ = rho.shape
    L = 16
    RB = D // 8
    HB = RB // 2
    NP = 5
    K = HB // NP
    VPP = K * 8 // L
    HE = HB * 8
    nseg = _num_reduced_states(_SUBSET, _N)
    seg_pad = -(-(nseg + 1) // 8) * 8

    rho4 = rho.reshape(B, RB, 8, D)
    segs = indices.astype(jnp.int32)

    mesh = plsc.VectorSubcoreMesh(core_axis_name="c", subcore_axis_name="s")

    @functools.partial(
        pl.kernel,
        mesh=mesh,
        out_type=jax.ShapeDtypeStruct((2, B, seg_pad), jnp.float32),
        scratch_types=[
            pltpu.VMEM((HE,), jnp.int32),
            pltpu.VMEM((2, K, 8, 128), jnp.float32),
            pltpu.VMEM((seg_pad * L,), jnp.float32),
            pltpu.VMEM((seg_pad,), jnp.float32),
            pltpu.SemaphoreType.DMA,
            pltpu.SemaphoreType.DMA,
        ],
        compiler_params=pltpu.CompilerParams(needs_layout_passes=False),
    )
    def run(rho_hbm, seg_hbm, out_hbm, seg_v, slab, acc, row_v, sem0, sem1):
        c = lax.axis_index("c")
        s = lax.axis_index("s")
        b = c * 8 + (s >> 1)
        h = s & 1
        base_e = h * HE
        base_R = h * HB
        sems = (sem0, sem1)

        def fire(p, slot):
            def one(t, carry):
                R = base_R + p * K + t
                w = pl.multiple_of((R >> 4) << 7, 128)
                pltpu.async_copy(
                    rho_hbm.at[b, R, :, pl.ds(w, 128)],
                    slab.at[slot, t],
                    sems[slot],
                )
                return carry

            lax.fori_loop(0, K, one, 0)

        def drain(slot):
            pltpu.make_async_copy(
                rho_hbm.at[0, pl.ds(0, K), :, pl.ds(0, 128)],
                slab.at[slot],
                sems[slot],
            ).wait()

        def zero_body(k, carry):
            acc[pl.ds(k * L, L)] = jnp.zeros((L,), jnp.float32)
            return carry

        lax.fori_loop(0, seg_pad, zero_body, 0)

        lane = lax.iota(jnp.int32, L)

        def consume(p, slot):
            slab_p = slab.at[slot]

            def body(kk, carry):
                j = base_e + (p * VPP + kk) * L + lane
                R = j >> 3
                d = j & 7
                rloc = R - (base_R + p * K)
                cloc = j & 127
                sg = seg_v[pl.ds((p * VPP + kk) * L, L)]
                v = plsc.load_gather(slab_p, [rloc, d, cloc])
                plsc.addupdate_scatter(acc, [sg * L + lane], jnp.abs(v))
                return carry

            lax.fori_loop(0, VPP, body, 0)

        fire(0, 0)
        pltpu.sync_copy(seg_hbm.at[pl.ds(base_e, HE)], seg_v)
        for p in range(NP):
            if p + 1 < NP:
                fire(p + 1, (p + 1) % 2)
            drain(p % 2)
            consume(p, p % 2)

        def fin(g, carry):
            def inner(jj, res):
                total = jnp.sum(acc[pl.ds((g * L + jj) * L, L)])
                return jnp.where(lane == jj, total, res)

            res = lax.fori_loop(0, L, inner, jnp.zeros((L,), jnp.float32))
            row_v[pl.ds(g * L, L)] = res
            return carry

        lax.fori_loop(0, seg_pad // L, fin, 0)

        pltpu.sync_copy(row_v, out_hbm.at[h, b])

    halves = run(rho4, segs)

    def combine(h_ref, o_ref):
        o_ref[...] = h_ref[0] + h_ref[1]

    out = pl.pallas_call(
        combine,
        out_shape=jax.ShapeDtypeStruct((B, seg_pad), jnp.float32),
    )(halves)
    return out[:, :nseg]

# --- scband reference (transcript-rebuilt; emitter-appended) ---
"""Pipeline reference for scband-measure-14302241096058 (READ-ONLY COPY).

The authoritative reference and input builder live on the scoring server;
editing this copy changes nothing except your own understanding.
"""

import jax, jax.numpy as jnp
import numpy as np

M = 64
N = 2
SUBSET = 8
B = 16

def generate_all_fock_states(m, n):
    if n == 0:
        yield ((0,) * m)
        return
    if m == 1:
        yield (n,)
        return
    for i in range(n + 1):
        for state in generate_all_fock_states(m - 1, n - i):
            yield ((i,) + state)

def _build_indices():
    all_states = list(generate_all_fock_states(M, 2))
    reduced_states = []
    for i in range(N + 1):
        reduced_states += list(generate_all_fock_states(SUBSET, i))
    idx = np.array([reduced_states.index(state[:SUBSET]) for state in all_states], dtype=np.int32)
    return idx, len(reduced_states)

def setup_inputs(seed: int = 0) -> dict:
    key = jax.random.key(seed)
    D = M * (M + 1) // 2  # 2080 Fock states for m=64 modes, n=2 photons
    rho = jax.random.normal(key, (B, D, D), dtype=jnp.float32)
    idx, num_segments = _build_indices()
    return {"rho": rho, "indices": jnp.asarray(idx), "num_segments": num_segments}

def reference(rho, indices, num_segments):
    # Extract diagonal probabilities from density matrix (Fock basis)
    probs = jnp.abs(jnp.diagonal(rho, axis1=1, axis2=2))  # [B, D]
    b = probs.shape[0]
    num_segments_static = sum(
        1 for i in range(N + 1) for _ in generate_all_fock_states(SUBSET, i)
    )
    idx = indices + num_segments * 0
    # Partial measurement: scatter-add probabilities of states sharing the
    # same reduced (measured-subset) Fock state
    probs_output = jnp.zeros((b, num_segments_static), dtype=probs.dtype).at[:, idx].add(probs)
    return probs_output

if __name__ == "__main__":
    import jax
    _d = setup_inputs()
    print(jax.jit(kernel)(*tuple(_d.values())))

</pallas_src>

<mosaic_0001>
#map = affine_map<(d0, d1) -> (0, 0, 0, 0)>
#map1 = affine_map<(d0, d1) -> (0)>
#map2 = affine_map<(d0, d1) -> (0, 0, 0)>
module attributes {stable_mosaic.version = 14 : i64} {
  func.func @run(%arg0: i32, %arg1: i32, %arg2: memref<16x260x8x2080xf32, #tpu.memory_space<hbm>>, %arg3: memref<2080xi32, #tpu.memory_space<hbm>>, %arg4: memref<2x16x48xf32, #tpu.memory_space<hbm>>, %arg5: memref<1040xi32, #tpu.memory_space<vmem>>, %arg6: memref<2x26x8x128xf32, #tpu.memory_space<vmem>>, %arg7: memref<768xf32, #tpu.memory_space<vmem>>, %arg8: memref<48xf32, #tpu.memory_space<vmem>>, %arg9: memref<!tpu.dma_semaphore, #tpu.memory_space<semaphore_mem>>, %arg10: memref<!tpu.dma_semaphore, #tpu.memory_space<semaphore_mem>>) attributes {dimension_semantics = [#tpu.dimension_semantics<core_parallel>, #tpu.dimension_semantics<subcore_parallel>], iteration_bounds = array<i64: 2, 16>, scalar_prefetch = 0 : i64, scratch_operands = 6 : i64, tpu.core_type = #tpu.core_type<sc_vector_subcore>, window_params = [{transform_indices = #map}, {transform_indices = #map1}, {transform_indices = #map2}]} {
    %mul3A = arith.constant 8 : i32
    %mul3A_0 = arith.muli %arg0, %mul3A : i32
    %shift_right_arithmetic3A = arith.constant 1 : i32
    %shift_right_arithmetic3A_1 = arith.shrsi %arg1, %shift_right_arithmetic3A : i32
    %add3A = arith.addi %mul3A_0, %shift_right_arithmetic3A_1 : i32
    %and3A = arith.constant 1 : i32
    %and3A_2 = arith.andi %arg1, %and3A : i32
    %mul3A_3 = arith.constant 1040 : i32
    %mul3A_4 = arith.muli %and3A_2, %mul3A_3 : i32
    %mul3A_5 = arith.constant 130 : i32
    %mul3A_6 = arith.muli %and3A_2, %mul3A_5 : i32
    %scan3A = arith.constant 0 : i32
    %scan3A_7 = arith.constant 0 : i32
    %scan3A_8 = arith.constant 48 : i32
    %scan3A_9 = arith.addi %scan3A_7, %scan3A_8 : i32
    %scan3A_10 = arith.constant 1 : i32
    scf.for %scan3A_192 = %scan3A_7 to %scan3A_9 step %scan3A_10  : i32 {
      %broadcast_in_dim3A = arith.constant 0.000000e+00 : f32
      %broadcast_in_dim3A_193 = vector.broadcast %broadcast_in_dim3A : f32 to vector<16xf32>
      %mul3A_194 = arith.constant 16 : i32
      %mul3A_195 = arith.muli %scan3A_192, %mul3A_194 : i32
      %swap3A = arith.index_cast %mul3A_195 : i32 to index
      %swap3A_196 = tpu.vector_load %arg7[%swap3A] {strides = array<i32>} : memref<768xf32, #tpu.memory_space<vmem>>, vector<16xf32>,
      tpu.vector_store %arg7[%swap3A], %broadcast_in_dim3A_193 {strides = array<i32>} : memref<768xf32, #tpu.memory_space<vmem>>, vector<16xf32>,
    }
    %scan3A_11 = arith.constant 48 : i32
    %iota3A = tpu.iota {dimensions = array<i32: 0>} : vector<16xi32>
    %scan3A_12 = arith.constant 0 : i32
    %scan3A_13 = arith.constant 0 : i32
    %scan3A_14 = arith.constant 26 : i32
    %scan3A_15 = arith.addi %scan3A_13, %scan3A_14 : i32
    %scan3A_16 = arith.constant 1 : i32
    scf.for %scan3A_192 = %scan3A_13 to %scan3A_15 step %scan3A_16  : i32 {
      %add3A_193 = arith.constant 0 : i32
      %add3A_194 = arith.addi %mul3A_6, %add3A_193 : i32
      %add3A_195 = arith.addi %add3A_194, %scan3A_192 : i32
      %shift_right_arithmetic3A_196 = arith.constant 4 : i32
      %shift_right_arithmetic3A_197 = arith.shrsi %add3A_195, %shift_right_arithmetic3A_196 : i32
      %shift_left3A = arith.constant 7 : i32
      %shift_left3A_198 = arith.shli %shift_right_arithmetic3A_197, %shift_left3A : i32
      %multiple_of3A = tpu.assume_multiple %shift_left3A_198, 128 : i32
      %dma_start3A = arith.constant 0 : i32
      %dma_start3A_199 = arith.constant 0 : i32
      %dma_start3A_200 = arith.constant 0 : i32
      %dma_start3A_201 = tpu.memref_slice %arg6[%dma_start3A, %scan3A_192, %dma_start3A_199, %dma_start3A_200] : memref<2x26x8x128xf32, #tpu.memory_space<vmem>> -> memref<1x1x8x128xf32, #tpu.memory_space<vmem>>
      %dma_start3A_202 = tpu.memref_squeeze %dma_start3A_201 : memref<1x1x8x128xf32, #tpu.memory_space<vmem>> -> memref<8x128xf32, #tpu.memory_space<vmem>>
      %dma_start3A_203 = arith.constant 0 : i32
      %dma_start3A_204 = tpu.memref_slice %arg2[%add3A, %add3A_195, %dma_start3A_203, %multiple_of3A] : memref<16x260x8x2080xf32, #tpu.memory_space<hbm>> -> memref<1x1x8x128xf32, #tpu.memory_space<hbm>>
      %dma_start3A_205 = tpu.memref_squeeze %dma_start3A_204 : memref<1x1x8x128xf32, #tpu.memory_space<hbm>> -> memref<8x128xf32, #tpu.memory_space<hbm>>
      %dma_start3A_206 = arith.constant 0 : i32
      %dma_start3A_207 = arith.constant 0 : i32
      %dma_start3A_208 = tpu.memref_slice %arg6[%dma_start3A, %scan3A_192, %dma_start3A_206, %dma_start3A_207] : memref<2x26x8x128xf32, #tpu.memory_space<vmem>> -> memref<1x1x8x128xf32, #tpu.memory_space<vmem>>
      %dma_start3A_209 = tpu.memref_squeeze %dma_start3A_208 : memref<1x1x8x128xf32, #tpu.memory_space<vmem>> -> memref<8x128xf32, #tpu.memory_space<vmem>>
      %dma_start3A_210 = arith.constant 0 : i32
      %dma_start3A_211 = tpu.memref_slice %arg2[%add3A, %add3A_195, %dma_start3A_210, %multiple_of3A] : memref<16x260x8x2080xf32, #tpu.memory_space<hbm>> -> memref<1x1x8x128xf32, #tpu.memory_space<hbm>>
      %dma_start3A_212 = tpu.memref_squeeze %dma_start3A_211 : memref<1x1x8x128xf32, #tpu.memory_space<hbm>> -> memref<8x128xf32, #tpu.memory_space<hbm>>
      tpu.enqueue_dma source(%dma_start3A_212 : memref<8x128xf32, #tpu.memory_space<hbm>>) target(%dma_start3A_209 : memref<8x128xf32, #tpu.memory_space<vmem>>) target_semaphore(%arg9 : memref<!tpu.dma_semaphore, #tpu.memory_space<semaphore_mem>>)
    }
    %scan3A_17 = arith.constant 26 : i32
    "tpu.region"() ({
      %run_scoped3A = tpu.sem_alloc : memref<!tpu.dma_semaphore, #tpu.memory_space<semaphore_mem>>
      %dma_start3A = tpu.memref_slice %arg3[%mul3A_4] : memref<2080xi32, #tpu.memory_space<hbm>> -> memref<1040xi32, #tpu.memory_space<hbm>>
      %dma_start3A_192 = tpu.memref_slice %arg3[%mul3A_4] : memref<2080xi32, #tpu.memory_space<hbm>> -> memref<1040xi32, #tpu.memory_space<hbm>>
      tpu.enqueue_dma source(%dma_start3A_192 : memref<1040xi32, #tpu.memory_space<hbm>>) target(%arg5 : memref<1040xi32, #tpu.memory_space<vmem>>) target_semaphore(%run_scoped3A : memref<!tpu.dma_semaphore, #tpu.memory_space<semaphore_mem>>)
      %dma_wait3A_193 = tpu.memref_slice %arg3[%mul3A_4] : memref<2080xi32, #tpu.memory_space<hbm>> -> memref<1040xi32, #tpu.memory_space<hbm>>
      %dma_wait3A_194 = tpu.memref_slice %arg3[%mul3A_4] : memref<2080xi32, #tpu.memory_space<hbm>> -> memref<1040xi32, #tpu.memory_space<hbm>>
      tpu.wait_dma2 semaphore(%run_scoped3A : memref<!tpu.dma_semaphore, #tpu.memory_space<semaphore_mem>>) src(%dma_wait3A_194 : memref<1040xi32, #tpu.memory_space<hbm>>) dst(%arg5 : memref<1040xi32, #tpu.memory_space<vmem>>)
      tpu.yield
    }) : () -> ()
    %scan3A_18 = arith.constant 0 : i32
    %scan3A_19 = arith.constant 0 : i32
    %scan3A_20 = arith.constant 26 : i32
    %scan3A_21 = arith.addi %scan3A_19, %scan3A_20 : i32
    %scan3A_22 = arith.constant 1 : i32
    scf.for %scan3A_192 = %scan3A_19 to %scan3A_21 step %scan3A_22  : i32 {
      %add3A_193 = arith.constant 26 : i32
      %add3A_194 = arith.addi %mul3A_6, %add3A_193 : i32
      %add3A_195 = arith.addi %add3A_194, %scan3A_192 : i32
      %shift_right_arithmetic3A_196 = arith.constant 4 : i32
      %shift_right_arithmetic3A_197 = arith.shrsi %add3A_195, %shift_right_arithmetic3A_196 : i32
      %shift_left3A = arith.constant 7 : i32
      %shift_left3A_198 = arith.shli %shift_right_arithmetic3A_197, %shift_left3A : i32
      %multiple_of3A = tpu.assume_multiple %shift_left3A_198, 128 : i32
      %dma_start3A = arith.constant 1 : i32
      %dma_start3A_199 = arith.constant 0 : i32
      %dma_start3A_200 = arith.constant 0 : i32
      %dma_start3A_201 = tpu.memref_slice %arg6[%dma_start3A, %scan3A_192, %dma_start3A_199, %dma_start3A_200] : memref<2x26x8x128xf32, #tpu.memory_space<vmem>> -> memref<1x1x8x128xf32, #tpu.memory_space<vmem>>
      %dma_start3A_202 = tpu.memref_squeeze %dma_start3A_201 : memref<1x1x8x128xf32, #tpu.memory_space<vmem>> -> memref<8x128xf32, #tpu.memory_space<vmem>>
      %dma_start3A_203 = arith.constant 0 : i32
      %dma_start3A_204 = tpu.memref_slice %arg2[%add3A, %add3A_195, %dma_start3A_203, %multiple_of3A] : memref<16x260x8x2080xf32, #tpu.memory_space<hbm>> -> memref<1x1x8x128xf32, #tpu.memory_space<hbm>>
      %dma_start3A_205 = tpu.memref_squeeze %dma_start3A_204 : memref<1x1x8x128xf32, #tpu.memory_space<hbm>> -> memref<8x128xf32, #tpu.memory_space<hbm>>
      %dma_start3A_206 = arith.constant 0 : i32
      %dma_start3A_207 = arith.constant 0 : i32
      %dma_start3A_208 = tpu.memref_slice %arg6[%dma_start3A, %scan3A_192, %dma_start3A_206, %dma_start3A_207] : memref<2x26x8x128xf32, #tpu.memory_space<vmem>> -> memref<1x1x8x128xf32, #tpu.memory_space<vmem>>
      %dma_start3A_209 = tpu.memref_squeeze %dma_start3A_208 : memref<1x1x8x128xf32, #tpu.memory_space<vmem>> -> memref<8x128xf32, #tpu.memory_space<vmem>>
      %dma_start3A_210 = arith.constant 0 : i32
      %dma_start3A_211 = tpu.memref_slice %arg2[%add3A, %add3A_195, %dma_start3A_210, %multiple_of3A] : memref<16x260x8x2080xf32, #tpu.memory_space<hbm>> -> memref<1x1x8x128xf32, #tpu.memory_space<hbm>>
      %dma_start3A_212 = tpu.memref_squeeze %dma_start3A_211 : memref<1x1x8x128xf32, #tpu.memory_space<hbm>> -> memref<8x128xf32, #tpu.memory_space<hbm>>
      tpu.enqueue_dma source(%dma_start3A_212 : memref<8x128xf32, #tpu.memory_space<hbm>>) target(%dma_start3A_209 : memref<8x128xf32, #tpu.memory_space<vmem>>) target_semaphore(%arg10 : memref<!tpu.dma_semaphore, #tpu.memory_space<semaphore_mem>>)
    }
    %scan3A_23 = arith.constant 26 : i32
    %dma_wait3A = arith.constant 0 : i32
    %dma_wait3A_24 = arith.constant 0 : i32
    %dma_wait3A_25 = arith.constant 0 : i32
    %dma_wait3A_26 = arith.constant 0 : i32
    %dma_wait3A_27 = arith.constant 0 : i32
    %dma_wait3A_28 = tpu.memref_slice %arg6[%dma_wait3A_24, %dma_wait3A_25, %dma_wait3A_26, %dma_wait3A_27] : memref<2x26x8x128xf32, #tpu.memory_space<vmem>> -> memref<1x26x8x128xf32, #tpu.memory_space<vmem>>
    %dma_wait3A_29 = tpu.memref_squeeze %dma_wait3A_28 : memref<1x26x8x128xf32, #tpu.memory_space<vmem>> -> memref<26x8x128xf32, #tpu.memory_space<vmem>>
    %dma_wait3A_30 = arith.constant 0 : i32
    %dma_wait3A_31 = arith.constant 0 : i32
    %dma_wait3A_32 = arith.constant 0 : i32
    %dma_wait3A_33 = tpu.memref_slice %arg2[%dma_wait3A, %dma_wait3A_30, %dma_wait3A_31, %dma_wait3A_32] : memref<16x260x8x2080xf32, #tpu.memory_space<hbm>> -> memref<1x26x8x128xf32, #tpu.memory_space<hbm>>
    %dma_wait3A_34 = tpu.memref_squeeze %dma_wait3A_33 : memref<1x26x8x128xf32, #tpu.memory_space<hbm>> -> memref<26x8x128xf32, #tpu.memory_space<hbm>>
    %dma_wait3A_35 = arith.constant 0 : i32
    %dma_wait3A_36 = arith.constant 0 : i32
    %dma_wait3A_37 = arith.constant 0 : i32
    %dma_wait3A_38 = tpu.memref_slice %arg6[%dma_wait3A_24, %dma_wait3A_35, %dma_wait3A_36, %dma_wait3A_37] : memref<2x26x8x128xf32, #tpu.memory_space<vmem>> -> memref<1x26x8x128xf32, #tpu.memory_space<vmem>>
    %dma_wait3A_39 = tpu.memref_squeeze %dma_wait3A_38 : memref<1x26x8x128xf32, #tpu.memory_space<vmem>> -> memref<26x8x128xf32, #tpu.memory_space<vmem>>
    %dma_wait3A_40 = arith.constant 0 : i32
    %dma_wait3A_41 = arith.constant 0 : i32
    %dma_wait3A_42 = arith.constant 0 : i32
    %dma_wait3A_43 = tpu.memref_slice %arg2[%dma_wait3A, %dma_wait3A_40, %dma_wait3A_41, %dma_wait3A_42] : memref<16x260x8x2080xf32, #tpu.memory_space<hbm>> -> memref<1x26x8x128xf32, #tpu.memory_space<hbm>>
    %dma_wait3A_44 = tpu.memref_squeeze %dma_wait3A_43 : memref<1x26x8x128xf32, #tpu.memory_space<hbm>> -> memref<26x8x128xf32, #tpu.memory_space<hbm>>
    tpu.wait_dma2 semaphore(%arg9 : memref<!tpu.dma_semaphore, #tpu.memory_space<semaphore_mem>>) src(%dma_wait3A_44 : memref<26x8x128xf32, #tpu.memory_space<hbm>>) dst(%dma_wait3A_39 : memref<26x8x128xf32, #tpu.memory_space<vmem>>)
    %scan3A_45 = arith.constant 0 : i32
    %scan3A_46 = arith.constant 0 : i32
    %scan3A_47 = arith.constant 0 : i32
    %scan3A_48 = arith.constant 13 : i32
    %scan3A_49 = arith.addi %scan3A_47, %scan3A_48 : i32
    %scan3A_50 = arith.constant 1 : i32
    scf.for %scan3A_192 = %scan3A_47 to %scan3A_49 step %scan3A_50  : i32 {
      %add3A_193 = arith.constant 0 : i32
      %add3A_194 = arith.addi %add3A_193, %scan3A_192 : i32
      %mul3A_195 = arith.constant 16 : i32
      %mul3A_196 = arith.muli %add3A_194, %mul3A_195 : i32
      %add3A_197 = arith.addi %mul3A_4, %mul3A_196 : i32
      %add3A_198 = vector.broadcast %add3A_197 : i32 to vector<16xi32>
      %add3A_199 = arith.addi %add3A_198, %iota3A : vector<16xi32>
      %shift_right_arithmetic3A_200 = arith.constant 3 : i32
      %shift_right_arithmetic3A_201 = vector.broadcast %shift_right_arithmetic3A_200 : i32 to vector<16xi32>
      %shift_right_arithmetic3A_202 = arith.shrsi %add3A_199, %shift_right_arithmetic3A_201 : vector<16xi32>
      %and3A_203 = arith.constant 7 : i32
      %and3A_204 = vector.broadcast %and3A_203 : i32 to vector<16xi32>
      %and3A_205 = arith.andi %add3A_199, %and3A_204 : vector<16xi32>
      %add3A_206 = arith.constant 0 : i32
      %add3A_207 = arith.addi %mul3A_6, %add3A_206 : i32
      %sub3A = vector.broadcast %add3A_207 : i32 to vector<16xi32>
      %sub3A_208 = arith.subi %shift_right_arithmetic3A_202, %sub3A : vector<16xi32>
      %and3A_209 = arith.constant 127 : i32
      %and3A_210 = vector.broadcast %and3A_209 : i32 to vector<16xi32>
      %and3A_211 = arith.andi %add3A_199, %and3A_210 : vector<16xi32>
      %add3A_212 = arith.constant 0 : i32
      %add3A_213 = arith.addi %add3A_212, %scan3A_192 : i32
      %mul3A_214 = arith.constant 16 : i32
      %mul3A_215 = arith.muli %add3A_213, %mul3A_214 : i32
      %get3A = arith.index_cast %mul3A_215 : i32 to index
      %get3A_216 = tpu.vector_load %arg5[%get3A] {strides = array<i32>} : memref<1040xi32, #tpu.memory_space<vmem>>, vector<16xi32>,
      %gather3A = arith.constant 0 : i32
      %gather3A_217 = arith.constant 0 : i32
      %gather3A_218 = arith.constant 0 : i32
      %gather3A_219 = tpu.memref_slice %arg6[%scan3A_46, %gather3A, %gather3A_217, %gather3A_218] : memref<2x26x8x128xf32, #tpu.memory_space<vmem>> -> memref<1x26x8x128xf32, #tpu.memory_space<vmem>>
      %gather3A_220 = tpu.memref_squeeze %gather3A_219 : memref<1x26x8x128xf32, #tpu.memory_space<vmem>> -> memref<26x8x128xf32, #tpu.memory_space<vmem>>
      %gather3A_221 = tpu.vector_load_idx %gather3A_220[%sub3A_208, %and3A_205, %and3A_211] : memref<26x8x128xf32, #tpu.memory_space<vmem>>[vector<16xi32>, vector<16xi32>, vector<16xi32>], vector<16xf32>,
      %mul3A_222 = arith.constant 16 : i32
      %mul3A_223 = vector.broadcast %mul3A_222 : i32 to vector<16xi32>
      %mul3A_224 = arith.muli %get3A_216, %mul3A_223 : vector<16xi32>
      %add3A_225 = arith.addi %mul3A_224, %iota3A : vector<16xi32>
      %abs3A = math.absf %gather3A_221 : vector<16xf32>
      tpu.vector_store_idx %arg7[%add3A_225], %abs3A {add = true} : memref<768xf32, #tpu.memory_space<vmem>>[vector<16xi32>], vector<16xf32>,
    }
    %scan3A_51 = arith.constant 13 : i32
    %scan3A_52 = arith.constant 0 : i32
    %scan3A_53 = arith.constant 0 : i32
    %scan3A_54 = arith.constant 26 : i32
    %scan3A_55 = arith.addi %scan3A_53, %scan3A_54 : i32
    %scan3A_56 = arith.constant 1 : i32
    scf.for %scan3A_192 = %scan3A_53 to %scan3A_55 step %scan3A_56  : i32 {
      %add3A_193 = arith.constant 52 : i32
      %add3A_194 = arith.addi %mul3A_6, %add3A_193 : i32
      %add3A_195 = arith.addi %add3A_194, %scan3A_192 : i32
      %shift_right_arithmetic3A_196 = arith.constant 4 : i32
      %shift_right_arithmetic3A_197 = arith.shrsi %add3A_195, %shift_right_arithmetic3A_196 : i32
      %shift_left3A = arith.constant 7 : i32
      %shift_left3A_198 = arith.shli %shift_right_arithmetic3A_197, %shift_left3A : i32
      %multiple_of3A = tpu.assume_multiple %shift_left3A_198, 128 : i32
      %dma_start3A = arith.constant 0 : i32
      %dma_start3A_199 = arith.constant 0 : i32
      %dma_start3A_200 = arith.constant 0 : i32
      %dma_start3A_201 = tpu.memref_slice %arg6[%dma_start3A, %scan3A_192, %dma_start3A_199, %dma_start3A_200] : memref<2x26x8x128xf32, #tpu.memory_space<vmem>> -> memref<1x1x8x128xf32, #tpu.memory_space<vmem>>
      %dma_start3A_202 = tpu.memref_squeeze %dma_start3A_201 : memref<1x1x8x128xf32, #tpu.memory_space<vmem>> -> memref<8x128xf32, #tpu.memory_space<vmem>>
      %dma_start3A_203 = arith.constant 0 : i32
      %dma_start3A_204 = tpu.memref_slice %arg2[%add3A, %add3A_195, %dma_start3A_203, %multiple_of3A] : memref<16x260x8x2080xf32, #tpu.memory_space<hbm>> -> memref<1x1x8x128xf32, #tpu.memory_space<hbm>>
      %dma_start3A_205 = tpu.memref_squeeze %dma_start3A_204 : memref<1x1x8x128xf32, #tpu.memory_space<hbm>> -> memref<8x128xf32, #tpu.memory_space<hbm>>
      %dma_start3A_206 = arith.constant 0 : i32
      %dma_start3A_207 = arith.constant 0 : i32
      %dma_start3A_208 = tpu.memref_slice %arg6[%dma_start3A, %scan3A_192, %dma_start3A_206, %dma_start3A_207] : memref<2x26x8x128xf32, #tpu.memory_space<vmem>> -> memref<1x1x8x128xf32, #tpu.memory_space<vmem>>
      %dma_start3A_209 = tpu.memref_squeeze %dma_start3A_208 : memref<1x1x8x128xf32, #tpu.memory_space<vmem>> -> memref<8x128xf32, #tpu.memory_space<vmem>>
      %dma_start3A_210 = arith.constant 0 : i32
      %dma_start3A_211 = tpu.memref_slice %arg2[%add3A, %add3A_195, %dma_start3A_210, %multiple_of3A] : memref<16x260x8x2080xf32, #tpu.memory_space<hbm>> -> memref<1x1x8x128xf32, #tpu.memory_space<hbm>>
      %dma_start3A_212 = tpu.memref_squeeze %dma_start3A_211 : memref<1x1x8x128xf32, #tpu.memory_space<hbm>> -> memref<8x128xf32, #tpu.memory_space<hbm>>
      tpu.enqueue_dma source(%dma_start3A_212 : memref<8x128xf32, #tpu.memory_space<hbm>>) target(%dma_start3A_209 : memref<8x128xf32, #tpu.memory_space<vmem>>) target_semaphore(%arg9 : memref<!tpu.dma_semaphore, #tpu.memory_space<semaphore_mem>>)
    }
    %scan3A_57 = arith.constant 26 : i32
    %dma_wait3A_58 = arith.constant 0 : i32
    %dma_wait3A_59 = arith.constant 1 : i32
    %dma_wait3A_60 = arith.constant 0 : i32
    %dma_wait3A_61 = arith.constant 0 : i32
    %dma_wait3A_62 = arith.constant 0 : i32
    %dma_wait3A_63 = tpu.memref_slice %arg6[%dma_wait3A_59, %dma_wait3A_60, %dma_wait3A_61, %dma_wait3A_62] : memref<2x26x8x128xf32, #tpu.memory_space<vmem>> -> memref<1x26x8x128xf32, #tpu.memory_space<vmem>>
    %dma_wait3A_64 = tpu.memref_squeeze %dma_wait3A_63 : memref<1x26x8x128xf32, #tpu.memory_space<vmem>> -> memref<26x8x128xf32, #tpu.memory_space<vmem>>
    %dma_wait3A_65 = arith.constant 0 : i32
    %dma_wait3A_66 = arith.constant 0 : i32
    %dma_wait3A_67 = arith.constant 0 : i32
    %dma_wait3A_68 = tpu.memref_slice %arg2[%dma_wait3A_58, %dma_wait3A_65, %dma_wait3A_66, %dma_wait3A_67] : memref<16x260x8x2080xf32, #tpu.memory_space<hbm>> -> memref<1x26x8x128xf32, #tpu.memory_space<hbm>>
    %dma_wait3A_69 = tpu.memref_squeeze %dma_wait3A_68 : memref<1x26x8x128xf32, #tpu.memory_space<hbm>> -> memref<26x8x128xf32, #tpu.memory_space<hbm>>
    %dma_wait3A_70 = arith.constant 0 : i32
    %dma_wait3A_71 = arith.constant 0 : i32
    %dma_wait3A_72 = arith.constant 0 : i32
    %dma_wait3A_73 = tpu.memref_slice %arg6[%dma_wait3A_59, %dma_wait3A_70, %dma_wait3A_71, %dma_wait3A_72] : memref<2x26x8x128xf32, #tpu.memory_space<vmem>> -> memref<1x26x8x128xf32, #tpu.memory_space<vmem>>
    %dma_wait3A_74 = tpu.memref_squeeze %dma_wait3A_73 : memref<1x26x8x128xf32, #tpu.memory_space<vmem>> -> memref<26x8x128xf32, #tpu.memory_space<vmem>>
    %dma_wait3A_75 = arith.constant 0 : i32
    %dma_wait3A_76 = arith.constant 0 : i32
    %dma_wait3A_77 = arith.constant 0 : i32
    %dma_wait3A_78 = tpu.memref_slice %arg2[%dma_wait3A_58, %dma_wait3A_75, %dma_wait3A_76, %dma_wait3A_77] : memref<16x260x8x2080xf32, #tpu.memory_space<hbm>> -> memref<1x26x8x128xf32, #tpu.memory_space<hbm>>
    %dma_wait3A_79 = tpu.memref_squeeze %dma_wait3A_78 : memref<1x26x8x128xf32, #tpu.memory_space<hbm>> -> memref<26x8x128xf32, #tpu.memory_space<hbm>>
    tpu.wait_dma2 semaphore(%arg10 : memref<!tpu.dma_semaphore, #tpu.memory_space<semaphore_mem>>) src(%dma_wait3A_79 : memref<26x8x128xf32, #tpu.memory_space<hbm>>) dst(%dma_wait3A_74 : memref<26x8x128xf32, #tpu.memory_space<vmem>>)
    %scan3A_80 = arith.constant 0 : i32
    %scan3A_81 = arith.constant 1 : i32
    %scan3A_82 = arith.constant 0 : i32
    %scan3A_83 = arith.constant 13 : i32
    %scan3A_84 = arith.addi %scan3A_82, %scan3A_83 : i32
    %scan3A_85 = arith.constant 1 : i32
    scf.for %scan3A_192 = %scan3A_82 to %scan3A_84 step %scan3A_85  : i32 {
      %add3A_193 = arith.constant 13 : i32
      %add3A_194 = arith.addi %add3A_193, %scan3A_192 : i32
      %mul3A_195 = arith.constant 16 : i32
      %mul3A_196 = arith.muli %add3A_194, %mul3A_195 : i32
      %add3A_197 = arith.addi %mul3A_4, %mul3A_196 : i32
      %add3A_198 = vector.broadcast %add3A_197 : i32 to vector<16xi32>
      %add3A_199 = arith.addi %add3A_198, %iota3A : vector<16xi32>
      %shift_right_arithmetic3A_200 = arith.constant 3 : i32
      %shift_right_arithmetic3A_201 = vector.broadcast %shift_right_arithmetic3A_200 : i32 to vector<16xi32>
      %shift_right_arithmetic3A_202 = arith.shrsi %add3A_199, %shift_right_arithmetic3A_201 : vector<16xi32>
      %and3A_203 = arith.constant 7 : i32
      %and3A_204 = vector.broadcast %and3A_203 : i32 to vector<16xi32>
      %and3A_205 = arith.andi %add3A_199, %and3A_204 : vector<16xi32>
      %add3A_206 = arith.constant 26 : i32
      %add3A_207 = arith.addi %mul3A_6, %add3A_206 : i32
      %sub3A = vector.broadcast %add3A_207 : i32 to vector<16xi32>
      %sub3A_208 = arith.subi %shift_right_arithmetic3A_202, %sub3A : vector<16xi32>
      %and3A_209 = arith.constant 127 : i32
      %and3A_210 = vector.broadcast %and3A_209 : i32 to vector<16xi32>
      %and3A_211 = arith.andi %add3A_199, %and3A_210 : vector<16xi32>
      %add3A_212 = arith.constant 13 : i32
      %add3A_213 = arith.addi %add3A_212, %scan3A_192 : i32
      %mul3A_214 = arith.constant 16 : i32
      %mul3A_215 = arith.muli %add3A_213, %mul3A_214 : i32
      %get3A = arith.index_cast %mul3A_215 : i32 to index
      %get3A_216 = tpu.vector_load %arg5[%get3A] {strides = array<i32>} : memref<1040xi32, #tpu.memory_space<vmem>>, vector<16xi32>,
      %gather3A = arith.constant 0 : i32
      %gather3A_217 = arith.constant 0 : i32
      %gather3A_218 = arith.constant 0 : i32
      %gather3A_219 = tpu.memref_slice %arg6[%scan3A_81, %gather3A, %gather3A_217, %gather3A_218] : memref<2x26x8x128xf32, #tpu.memory_space<vmem>> -> memref<1x26x8x128xf32, #tpu.memory_space<vmem>>
      %gather3A_220 = tpu.memref_squeeze %gather3A_219 : memref<1x26x8x128xf32, #tpu.memory_space<vmem>> -> memref<26x8x128xf32, #tpu.memory_space<vmem>>
      %gather3A_221 = tpu.vector_load_idx %gather3A_220[%sub3A_208, %and3A_205, %and3A_211] : memref<26x8x128xf32, #tpu.memory_space<vmem>>[vector<16xi32>, vector<16xi32>, vector<16xi32>], vector<16xf32>,
      %mul3A_222 = arith.constant 16 : i32
      %mul3A_223 = vector.broadcast %mul3A_222 : i32 to vector<16xi32>
      %mul3A_224 = arith.muli %get3A_216, %mul3A_223 : vector<16xi32>
      %add3A_225 = arith.addi %mul3A_224, %iota3A : vector<16xi32>
      %abs3A = math.absf %gather3A_221 : vector<16xf32>
      tpu.vector_store_idx %arg7[%add3A_225], %abs3A {add = true} : memref<768xf32, #tpu.memory_space<vmem>>[vector<16xi32>], vector<16xf32>,
    }
    %scan3A_86 = arith.constant 13 : i32
    %scan3A_87 = arith.constant 0 : i32
    %scan3A_88 = arith.constant 0 : i32
    %scan3A_89 = arith.constant 26 : i32
    %scan3A_90 = arith.addi %scan3A_88, %scan3A_89 : i32
    %scan3A_91 = arith.constant 1 : i32
    scf.for %scan3A_192 = %scan3A_88 to %scan3A_90 step %scan3A_91  : i32 {
      %add3A_193 = arith.constant 78 : i32
      %add3A_194 = arith.addi %mul3A_6, %add3A_193 : i32
      %add3A_195 = arith.addi %add3A_194, %scan3A_192 : i32
      %shift_right_arithmetic3A_196 = arith.constant 4 : i32
      %shift_right_arithmetic3A_197 = arith.shrsi %add3A_195, %shift_right_arithmetic3A_196 : i32
      %shift_left3A = arith.constant 7 : i32
      %shift_left3A_198 = arith.shli %shift_right_arithmetic3A_197, %shift_left3A : i32
      %multiple_of3A = tpu.assume_multiple %shift_left3A_198, 128 : i32
      %dma_start3A = arith.constant 1 : i32
      %dma_start3A_199 = arith.constant 0 : i32
      %dma_start3A_200 = arith.constant 0 : i32
      %dma_start3A_201 = tpu.memref_slice %arg6[%dma_start3A, %scan3A_192, %dma_start3A_199, %dma_start3A_200] : memref<2x26x8x128xf32, #tpu.memory_space<vmem>> -> memref<1x1x8x128xf32, #tpu.memory_space<vmem>>
      %dma_start3A_202 = tpu.memref_squeeze %dma_start3A_201 : memref<1x1x8x128xf32, #tpu.memory_space<vmem>> -> memref<8x128xf32, #tpu.memory_space<vmem>>
      %dma_start3A_203 = arith.constant 0 : i32
      %dma_start3A_204 = tpu.memref_slice %arg2[%add3A, %add3A_195, %dma_start3A_203, %multiple_of3A] : memref<16x260x8x2080xf32, #tpu.memory_space<hbm>> -> memref<1x1x8x128xf32, #tpu.memory_space<hbm>>
      %dma_start3A_205 = tpu.memref_squeeze %dma_start3A_204 : memref<1x1x8x128xf32, #tpu.memory_space<hbm>> -> memref<8x128xf32, #tpu.memory_space<hbm>>
      %dma_start3A_206 = arith.constant 0 : i32
      %dma_start3A_207 = arith.constant 0 : i32
      %dma_start3A_208 = tpu.memref_slice %arg6[%dma_start3A, %scan3A_192, %dma_start3A_206, %dma_start3A_207] : memref<2x26x8x128xf32, #tpu.memory_space<vmem>> -> memref<1x1x8x128xf32, #tpu.memory_space<vmem>>
      %dma_start3A_209 = tpu.memref_squeeze %dma_start3A_208 : memref<1x1x8x128xf32, #tpu.memory_space<vmem>> -> memref<8x128xf32, #tpu.memory_space<vmem>>
      %dma_start3A_210 = arith.constant 0 : i32
      %dma_start3A_211 = tpu.memref_slice %arg2[%add3A, %add3A_195, %dma_start3A_210, %multiple_of3A] : memref<16x260x8x2080xf32, #tpu.memory_space<hbm>> -> memref<1x1x8x128xf32, #tpu.memory_space<hbm>>
      %dma_start3A_212 = tpu.memref_squeeze %dma_start3A_211 : memref<1x1x8x128xf32, #tpu.memory_space<hbm>> -> memref<8x128xf32, #tpu.memory_space<hbm>>
      tpu.enqueue_dma source(%dma_start3A_212 : memref<8x128xf32, #tpu.memory_space<hbm>>) target(%dma_start3A_209 : memref<8x128xf32, #tpu.memory_space<vmem>>) target_semaphore(%arg10 : memref<!tpu.dma_semaphore, #tpu.memory_space<semaphore_mem>>)
    }
    %scan3A_92 = arith.constant 26 : i32
    %dma_wait3A_93 = arith.constant 0 : i32
    %dma_wait3A_94 = arith.constant 0 : i32
    %dma_wait3A_95 = arith.constant 0 : i32
    %dma_wait3A_96 = arith.constant 0 : i32
    %dma_wait3A_97 = arith.constant 0 : i32
    %dma_wait3A_98 = tpu.memref_slice %arg6[%dma_wait3A_94, %dma_wait3A_95, %dma_wait3A_96, %dma_wait3A_97] : memref<2x26x8x128xf32, #tpu.memory_space<vmem>> -> memref<1x26x8x128xf32, #tpu.memory_space<vmem>>
    %dma_wait3A_99 = tpu.memref_squeeze %dma_wait3A_98 : memref<1x26x8x128xf32, #tpu.memory_space<vmem>> -> memref<26x8x128xf32, #tpu.memory_space<vmem>>
    %dma_wait3A_100 = arith.constant 0 : i32
    %dma_wait3A_101 = arith.constant 0 : i32
    %dma_wait3A_102 = arith.constant 0 : i32
    %dma_wait3A_103 = tpu.memref_slice %arg2[%dma_wait3A_93, %dma_wait3A_100, %dma_wait3A_101, %dma_wait3A_102] : memref<16x260x8x2080xf32, #tpu.memory_space<hbm>> -> memref<1x26x8x128xf32, #tpu.memory_space<hbm>>
    %dma_wait3A_104 = tpu.memref_squeeze %dma_wait3A_103 : memref<1x26x8x128xf32, #tpu.memory_space<hbm>> -> memref<26x8x128xf32, #tpu.memory_space<hbm>>
    %dma_wait3A_105 = arith.constant 0 : i32
    %dma_wait3A_106 = arith.constant 0 : i32
    %dma_wait3A_107 = arith.constant 0 : i32
    %dma_wait3A_108 = tpu.memref_slice %arg6[%dma_wait3A_94, %dma_wait3A_105, %dma_wait3A_106, %dma_wait3A_107] : memref<2x26x8x128xf32, #tpu.memory_space<vmem>> -> memref<1x26x8x128xf32, #tpu.memory_space<vmem>>
    %dma_wait3A_109 = tpu.memref_squeeze %dma_wait3A_108 : memref<1x26x8x128xf32, #tpu.memory_space<vmem>> -> memref<26x8x128xf32, #tpu.memory_space<vmem>>
    %dma_wait3A_110 = arith.constant 0 : i32
    %dma_wait3A_111 = arith.constant 0 : i32
    %dma_wait3A_112 = arith.constant 0 : i32
    %dma_wait3A_113 = tpu.memref_slice %arg2[%dma_wait3A_93, %dma_wait3A_110, %dma_wait3A_111, %dma_wait3A_112] : memref<16x260x8x2080xf32, #tpu.memory_space<hbm>> -> memref<1x26x8x128xf32, #tpu.memory_space<hbm>>
    %dma_wait3A_114 = tpu.memref_squeeze %dma_wait3A_113 : memref<1x26x8x128xf32, #tpu.memory_space<hbm>> -> memref<26x8x128xf32, #tpu.memory_space<hbm>>
    tpu.wait_dma2 semaphore(%arg9 : memref<!tpu.dma_semaphore, #tpu.memory_space<semaphore_mem>>) src(%dma_wait3A_114 : memref<26x8x128xf32, #tpu.memory_space<hbm>>) dst(%dma_wait3A_109 : memref<26x8x128xf32, #tpu.memory_space<vmem>>)
    %scan3A_115 = arith.constant 0 : i32
    %scan3A_116 = arith.constant 0 : i32
    %scan3A_117 = arith.constant 0 : i32
    %scan3A_118 = arith.constant 13 : i32
    %scan3A_119 = arith.addi %scan3A_117, %scan3A_118 : i32
    %scan3A_120 = arith.constant 1 : i32
    scf.for %scan3A_192 = %scan3A_117 to %scan3A_119 step %scan3A_120  : i32 {
      %add3A_193 = arith.constant 26 : i32
      %add3A_194 = arith.addi %add3A_193, %scan3A_192 : i32
      %mul3A_195 = arith.constant 16 : i32
      %mul3A_196 = arith.muli %add3A_194, %mul3A_195 : i32
      %add3A_197 = arith.addi %mul3A_4, %mul3A_196 : i32
      %add3A_198 = vector.broadcast %add3A_197 : i32 to vector<16xi32>
      %add3A_199 = arith.addi %add3A_198, %iota3A : vector<16xi32>
      %shift_right_arithmetic3A_200 = arith.constant 3 : i32
      %shift_right_arithmetic3A_201 = vector.broadcast %shift_right_arithmetic3A_200 : i32 to vector<16xi32>
      %shift_right_arithmetic3A_202 = arith.shrsi %add3A_199, %shift_right_arithmetic3A_201 : vector<16xi32>
      %and3A_203 = arith.constant 7 : i32
      %and3A_204 = vector.broadcast %and3A_203 : i32 to vector<16xi32>
      %and3A_205 = arith.andi %add3A_199, %and3A_204 : vector<16xi32>
      %add3A_206 = arith.constant 52 : i32
      %add3A_207 = arith.addi %mul3A_6, %add3A_206 : i32
      %sub3A = vector.broadcast %add3A_207 : i32 to vector<16xi32>
      %sub3A_208 = arith.subi %shift_right_arithmetic3A_202, %sub3A : vector<16xi32>
      %and3A_209 = arith.constant 127 : i32
      %and3A_210 = vector.broadcast %and3A_209 : i32 to vector<16xi32>
      %and3A_211 = arith.andi %add3A_199, %and3A_210 : vector<16xi32>
      %add3A_212 = arith.constant 26 : i32
      %add3A_213 = arith.addi %add3A_212, %scan3A_192 : i32
      %mul3A_214 = arith.constant 16 : i32
      %mul3A_215 = arith.muli %add3A_213, %mul3A_214 : i32
      %get3A = arith.index_cast %mul3A_215 : i32 to index
      %get3A_216 = tpu.vector_load %arg5[%get3A] {strides = array<i32>} : memref<1040xi32, #tpu.memory_space<vmem>>, vector<16xi32>,
      %gather3A = arith.constant 0 : i32
      %gather3A_217 = arith.constant 0 : i32
      %gather3A_218 = arith.constant 0 : i32
      %gather3A_219 = tpu.memref_slice %arg6[%scan3A_116, %gather3A, %gather3A_217, %gather3A_218] : memref<2x26x8x128xf32, #tpu.memory_space<vmem>> -> memref<1x26x8x128xf32, #tpu.memory_space<vmem>>
      %gather3A_220 = tpu.memref_squeeze %gather3A_219 : memref<1x26x8x128xf32, #tpu.memory_space<vmem>> -> memref<26x8x128xf32, #tpu.memory_space<vmem>>
      %gather3A_221 = tpu.vector_load_idx %gather3A_220[%sub3A_208, %and3A_205, %and3A_211] : memref<26x8x128xf32, #tpu.memory_space<vmem>>[vector<16xi32>, vector<16xi32>, vector<16xi32>], vector<16xf32>,
      %mul3A_222 = arith.constant 16 : i32
      %mul3A_223 = vector.broadcast %mul3A_222 : i32 to vector<16xi32>
      %mul3A_224 = arith.muli %get3A_216, %mul3A_223 : vector<16xi32>
      %add3A_225 = arith.addi %mul3A_224, %iota3A : vector<16xi32>
      %abs3A = math.absf %gather3A_221 : vector<16xf32>
      tpu.vector_store_idx %arg7[%add3A_225], %abs3A {add = true} : memref<768xf32, #tpu.memory_space<vmem>>[vector<16xi32>], vector<16xf32>,
    }
    %scan3A_121 = arith.constant 13 : i32
    %scan3A_122 = arith.constant 0 : i32
    %scan3A_123 = arith.constant 0 : i32
    %scan3A_124 = arith.constant 26 : i32
    %scan3A_125 = arith.addi %scan3A_123, %scan3A_124 : i32
    %scan3A_126 = arith.constant 1 : i32
    scf.for %scan3A_192 = %scan3A_123 to %scan3A_125 step %scan3A_126  : i32 {
      %add3A_193 = arith.constant 104 : i32
      %add3A_194 = arith.addi %mul3A_6, %add3A_193 : i32
      %add3A_195 = arith.addi %add3A_194, %scan3A_192 : i32
      %shift_right_arithmetic3A_196 = arith.constant 4 : i32
      %shift_right_arithmetic3A_197 = arith.shrsi %add3A_195, %shift_right_arithmetic3A_196 : i32
      %shift_left3A = arith.constant 7 : i32
      %shift_left3A_198 = arith.shli %shift_right_arithmetic3A_197, %shift_left3A : i32
      %multiple_of3A = tpu.assume_multiple %shift_left3A_198, 128 : i32
      %dma_start3A = arith.constant 0 : i32
      %dma_start3A_199 = arith.constant 0 : i32
      %dma_start3A_200 = arith.constant 0 : i32
      %dma_start3A_201 = tpu.memref_slice %arg6[%dma_start3A, %scan3A_192, %dma_start3A_199, %dma_start3A_200] : memref<2x26x8x128xf32, #tpu.memory_space<vmem>> -> memref<1x1x8x128xf32, #tpu.memory_space<vmem>>
      %dma_start3A_202 = tpu.memref_squeeze %dma_start3A_201 : memref<1x1x8x128xf32, #tpu.memory_space<vmem>> -> memref<8x128xf32, #tpu.memory_space<vmem>>
      %dma_start3A_203 = arith.constant 0 : i32
      %dma_start3A_204 = tpu.memref_slice %arg2[%add3A, %add3A_195, %dma_start3A_203, %multiple_of3A] : memref<16x260x8x2080xf32, #tpu.memory_space<hbm>> -> memref<1x1x8x128xf32, #tpu.memory_space<hbm>>
      %dma_start3A_205 = tpu.memref_squeeze %dma_start3A_204 : memref<1x1x8x128xf32, #tpu.memory_space<hbm>> -> memref<8x128xf32, #tpu.memory_space<hbm>>
      %dma_start3A_206 = arith.constant 0 : i32
      %dma_start3A_207 = arith.constant 0 : i32
      %dma_start3A_208 = tpu.memref_slice %arg6[%dma_start3A, %scan3A_192, %dma_start3A_206, %dma_start3A_207] : memref<2x26x8x128xf32, #tpu.memory_space<vmem>> -> memref<1x1x8x128xf32, #tpu.memory_space<vmem>>
      %dma_start3A_209 = tpu.memref_squeeze %dma_start3A_208 : memref<1x1x8x128xf32, #tpu.memory_space<vmem>> -> memref<8x128xf32, #tpu.memory_space<vmem>>
      %dma_start3A_210 = arith.constant 0 : i32
      %dma_start3A_211 = tpu.memref_slice %arg2[%add3A, %add3A_195, %dma_start3A_210, %multiple_of3A] : memref<16x260x8x2080xf32, #tpu.memory_space<hbm>> -> memref<1x1x8x128xf32, #tpu.memory_space<hbm>>
      %dma_start3A_212 = tpu.memref_squeeze %dma_start3A_211 : memref<1x1x8x128xf32, #tpu.memory_space<hbm>> -> memref<8x128xf32, #tpu.memory_space<hbm>>
      tpu.enqueue_dma source(%dma_start3A_212 : memref<8x128xf32, #tpu.memory_space<hbm>>) target(%dma_start3A_209 : memref<8x128xf32, #tpu.memory_space<vmem>>) target_semaphore(%arg9 : memref<!tpu.dma_semaphore, #tpu.memory_space<semaphore_mem>>)
    }
    %scan3A_127 = arith.constant 26 : i32
    %dma_wait3A_128 = arith.constant 0 : i32
    %dma_wait3A_129 = arith.constant 1 : i32
    %dma_wait3A_130 = arith.constant 0 : i32
    %dma_wait3A_131 = arith.constant 0 : i32
    %dma_wait3A_132 = arith.constant 0 : i32
    %dma_wait3A_133 = tpu.memref_slice %arg6[%dma_wait3A_129, %dma_wait3A_130, %dma_wait3A_131, %dma_wait3A_132] : memref<2x26x8x128xf32, #tpu.memory_space<vmem>> -> memref<1x26x8x128xf32, #tpu.memory_space<vmem>>
    %dma_wait3A_134 = tpu.memref_squeeze %dma_wait3A_133 : memref<1x26x8x128xf32, #tpu.memory_space<vmem>> -> memref<26x8x128xf32, #tpu.memory_space<vmem>>
    %dma_wait3A_135 = arith.constant 0 : i32
    %dma_wait3A_136 = arith.constant 0 : i32
    %dma_wait3A_137 = arith.constant 0 : i32
    %dma_wait3A_138 = tpu.memref_slice %arg2[%dma_wait3A_128, %dma_wait3A_135, %dma_wait3A_136, %dma_wait3A_137] : memref<16x260x8x2080xf32, #tpu.memory_space<hbm>> -> memref<1x26x8x128xf32, #tpu.memory_space<hbm>>
    %dma_wait3A_139 = tpu.memref_squeeze %dma_wait3A_138 : memref<1x26x8x128xf32, #tpu.memory_space<hbm>> -> memref<26x8x128xf32, #tpu.memory_space<hbm>>
    %dma_wait3A_140 = arith.constant 0 : i32
    %dma_wait3A_141 = arith.constant 0 : i32
    %dma_wait3A_142 = arith.constant 0 : i32
    %dma_wait3A_143 = tpu.memref_slice %arg6[%dma_wait3A_129, %dma_wait3A_140, %dma_wait3A_141, %dma_wait3A_142] : memref<2x26x8x128xf32, #tpu.memory_space<vmem>> -> memref<1x26x8x128xf32, #tpu.memory_space<vmem>>
    %dma_wait3A_144 = tpu.memref_squeeze %dma_wait3A_143 : memref<1x26x8x128xf32, #tpu.memory_space<vmem>> -> memref<26x8x128xf32, #tpu.memory_space<vmem>>
    %dma_wait3A_145 = arith.constant 0 : i32
    %dma_wait3A_146 = arith.constant 0 : i32
    %dma_wait3A_147 = arith.constant 0 : i32
    %dma_wait3A_148 = tpu.memref_slice %arg2[%dma_wait3A_128, %dma_wait3A_145, %dma_wait3A_146, %dma_wait3A_147] : memref<16x260x8x2080xf32, #tpu.memory_space<hbm>> -> memref<1x26x8x128xf32, #tpu.memory_space<hbm>>
    %dma_wait3A_149 = tpu.memref_squeeze %dma_wait3A_148 : memref<1x26x8x128xf32, #tpu.memory_space<hbm>> -> memref<26x8x128xf32, #tpu.memory_space<hbm>>
    tpu.wait_dma2 semaphore(%arg10 : memref<!tpu.dma_semaphore, #tpu.memory_space<semaphore_mem>>) src(%dma_wait3A_149 : memref<26x8x128xf32, #tpu.memory_space<hbm>>) dst(%dma_wait3A_144 : memref<26x8x128xf32, #tpu.memory_space<vmem>>)
    %scan3A_150 = arith.constant 0 : i32
    %scan3A_151 = arith.constant 1 : i32
    %scan3A_152 = arith.constant 0 : i32
    %scan3A_153 = arith.constant 13 : i32
    %scan3A_154 = arith.addi %scan3A_152, %scan3A_153 : i32
    %scan3A_155 = arith.constant 1 : i32
    scf.for %scan3A_192 = %scan3A_152 to %scan3A_154 step %scan3A_155  : i32 {
      %add3A_193 = arith.constant 39 : i32
      %add3A_194 = arith.addi %add3A_193, %scan3A_192 : i32
      %mul3A_195 = arith.constant 16 : i32
      %mul3A_196 = arith.muli %add3A_194, %mul3A_195 : i32
      %add3A_197 = arith.addi %mul3A_4, %mul3A_196 : i32
      %add3A_198 = vector.broadcast %add3A_197 : i32 to vector<16xi32>
      %add3A_199 = arith.addi %add3A_198, %iota3A : vector<16xi32>
      %shift_right_arithmetic3A_200 = arith.constant 3 : i32
      %shift_right_arithmetic3A_201 = vector.broadcast %shift_right_arithmetic3A_200 : i32 to vector<16xi32>
      %shift_right_arithmetic3A_202 = arith.shrsi %add3A_199, %shift_right_arithmetic3A_201 : vector<16xi32>
      %and3A_203 = arith.constant 7 : i32
      %and3A_204 = vector.broadcast %and3A_203 : i32 to vector<16xi32>
      %and3A_205 = arith.andi %add3A_199, %and3A_204 : vector<16xi32>
      %add3A_206 = arith.constant 78 : i32
      %add3A_207 = arith.addi %mul3A_6, %add3A_206 : i32
      %sub3A = vector.broadcast %add3A_207 : i32 to vector<16xi32>
      %sub3A_208 = arith.subi %shift_right_arithmetic3A_202, %sub3A : vector<16xi32>
      %and3A_209 = arith.constant 127 : i32
      %and3A_210 = vector.broadcast %and3A_209 : i32 to vector<16xi32>
      %and3A_211 = arith.andi %add3A_199, %and3A_210 : vector<16xi32>
      %add3A_212 = arith.constant 39 : i32
      %add3A_213 = arith.addi %add3A_212, %scan3A_192 : i32
      %mul3A_214 = arith.constant 16 : i32
      %mul3A_215 = arith.muli %add3A_213, %mul3A_214 : i32
      %get3A = arith.index_cast %mul3A_215 : i32 to index
      %get3A_216 = tpu.vector_load %arg5[%get3A] {strides = array<i32>} : memref<1040xi32, #tpu.memory_space<vmem>>, vector<16xi32>,
      %gather3A = arith.constant 0 : i32
      %gather3A_217 = arith.constant 0 : i32
      %gather3A_218 = arith.constant 0 : i32
      %gather3A_219 = tpu.memref_slice %arg6[%scan3A_151, %gather3A, %gather3A_217, %gather3A_218] : memref<2x26x8x128xf32, #tpu.memory_space<vmem>> -> memref<1x26x8x128xf32, #tpu.memory_space<vmem>>
      %gather3A_220 = tpu.memref_squeeze %gather3A_219 : memref<1x26x8x128xf32, #tpu.memory_space<vmem>> -> memref<26x8x128xf32, #tpu.memory_space<vmem>>
      %gather3A_221 = tpu.vector_load_idx %gather3A_220[%sub3A_208, %and3A_205, %and3A_211] : memref<26x8x128xf32, #tpu.memory_space<vmem>>[vector<16xi32>, vector<16xi32>, vector<16xi32>], vector<16xf32>,
      %mul3A_222 = arith.constant 16 : i32
      %mul3A_223 = vector.broadcast %mul3A_222 : i32 to vector<16xi32>
      %mul3A_224 = arith.muli %get3A_216, %mul3A_223 : vector<16xi32>
      %add3A_225 = arith.addi %mul3A_224, %iota3A : vector<16xi32>
      %abs3A = math.absf %gather3A_221 : vector<16xf32>
      tpu.vector_store_idx %arg7[%add3A_225], %abs3A {add = true} : memref<768xf32, #tpu.memory_space<vmem>>[vector<16xi32>], vector<16xf32>,
    }
    %scan3A_156 = arith.constant 13 : i32
    %dma_wait3A_157 = arith.constant 0 : i32
    %dma_wait3A_158 = arith.constant 0 : i32
    %dma_wait3A_159 = arith.constant 0 : i32
    %dma_wait3A_160 = arith.constant 0 : i32
    %dma_wait3A_161 = arith.constant 0 : i32
    %dma_wait3A_162 = tpu.memref_slice %arg6[%dma_wait3A_158, %dma_wait3A_159, %dma_wait3A_160, %dma_wait3A_161] : memref<2x26x8x128xf32, #tpu.memory_space<vmem>> -> memref<1x26x8x128xf32, #tpu.memory_space<vmem>>
    %dma_wait3A_163 = tpu.memref_squeeze %dma_wait3A_162 : memref<1x26x8x128xf32, #tpu.memory_space<vmem>> -> memref<26x8x128xf32, #tpu.memory_space<vmem>>
    %dma_wait3A_164 = arith.constant 0 : i32
    %dma_wait3A_165 = arith.constant 0 : i32
    %dma_wait3A_166 = arith.constant 0 : i32
    %dma_wait3A_167 = tpu.memref_slice %arg2[%dma_wait3A_157, %dma_wait3A_164, %dma_wait3A_165, %dma_wait3A_166] : memref<16x260x8x2080xf32, #tpu.memory_space<hbm>> -> memref<1x26x8x128xf32, #tpu.memory_space<hbm>>
    %dma_wait3A_168 = tpu.memref_squeeze %dma_wait3A_167 : memref<1x26x8x128xf32, #tpu.memory_space<hbm>> -> memref<26x8x128xf32, #tpu.memory_space<hbm>>
    %dma_wait3A_169 = arith.constant 0 : i32
    %dma_wait3A_170 = arith.constant 0 : i32
    %dma_wait3A_171 = arith.constant 0 : i32
    %dma_wait3A_172 = tpu.memref_slice %arg6[%dma_wait3A_158, %dma_wait3A_169, %dma_wait3A_170, %dma_wait3A_171] : memref<2x26x8x128xf32, #tpu.memory_space<vmem>> -> memref<1x26x8x128xf32, #tpu.memory_space<vmem>>
    %dma_wait3A_173 = tpu.memref_squeeze %dma_wait3A_172 : memref<1x26x8x128xf32, #tpu.memory_space<vmem>> -> memref<26x8x128xf32, #tpu.memory_space<vmem>>
    %dma_wait3A_174 = arith.constant 0 : i32
    %dma_wait3A_175 = arith.constant 0 : i32
    %dma_wait3A_176 = arith.constant 0 : i32
    %dma_wait3A_177 = tpu.memref_slice %arg2[%dma_wait3A_157, %dma_wait3A_174, %dma_wait3A_175, %dma_wait3A_176] : memref<16x260x8x2080xf32, #tpu.memory_space<hbm>> -> memref<1x26x8x128xf32, #tpu.memory_space<hbm>>
    %dma_wait3A_178 = tpu.memref_squeeze %dma_wait3A_177 : memref<1x26x8x128xf32, #tpu.memory_space<hbm>> -> memref<26x8x128xf32, #tpu.memory_space<hbm>>
    tpu.wait_dma2 semaphore(%arg9 : memref<!tpu.dma_semaphore, #tpu.memory_space<semaphore_mem>>) src(%dma_wait3A_178 : memref<26x8x128xf32, #tpu.memory_space<hbm>>) dst(%dma_wait3A_173 : memref<26x8x128xf32, #tpu.memory_space<vmem>>)
    %scan3A_179 = arith.constant 0 : i32
    %scan3A_180 = arith.constant 0 : i32
    %scan3A_181 = arith.constant 0 : i32
    %scan3A_182 = arith.constant 13 : i32
    %scan3A_183 = arith.addi %scan3A_181, %scan3A_182 : i32
    %scan3A_184 = arith.constant 1 : i32
    scf.for %scan3A_192 = %scan3A_181 to %scan3A_183 step %scan3A_184  : i32 {
      %add3A_193 = arith.constant 52 : i32
      %add3A_194 = arith.addi %add3A_193, %scan3A_192 : i32
      %mul3A_195 = arith.constant 16 : i32
      %mul3A_196 = arith.muli %add3A_194, %mul3A_195 : i32
      %add3A_197 = arith.addi %mul3A_4, %mul3A_196 : i32
      %add3A_198 = vector.broadcast %add3A_197 : i32 to vector<16xi32>
      %add3A_199 = arith.addi %add3A_198, %iota3A : vector<16xi32>
      %shift_right_arithmetic3A_200 = arith.constant 3 : i32
      %shift_right_arithmetic3A_201 = vector.broadcast %shift_right_arithmetic3A_200 : i32 to vector<16xi32>
      %shift_right_arithmetic3A_202 = arith.shrsi %add3A_199, %shift_right_arithmetic3A_201 : vector<16xi32>
      %and3A_203 = arith.constant 7 : i32
      %and3A_204 = vector.broadcast %and3A_203 : i32 to vector<16xi32>
      %and3A_205 = arith.andi %add3A_199, %and3A_204 : vector<16xi32>
      %add3A_206 = arith.constant 104 : i32
      %add3A_207 = arith.addi %mul3A_6, %add3A_206 : i32
      %sub3A = vector.broadcast %add3A_207 : i32 to vector<16xi32>
      %sub3A_208 = arith.subi %shift_right_arithmetic3A_202, %sub3A : vector<16xi32>
      %and3A_209 = arith.constant 127 : i32
      %and3A_210 = vector.broadcast %and3A_209 : i32 to vector<16xi32>
      %and3A_211 = arith.andi %add3A_199, %and3A_210 : vector<16xi32>
      %add3A_212 = arith.constant 52 : i32
      %add3A_213 = arith.addi %add3A_212, %scan3A_192 : i32
      %mul3A_214 = arith.constant 16 : i32
      %mul3A_215 = arith.muli %add3A_213, %mul3A_214 : i32
      %get3A = arith.index_cast %mul3A_215 : i32 to index
      %get3A_216 = tpu.vector_load %arg5[%get3A] {strides = array<i32>} : memref<1040xi32, #tpu.memory_space<vmem>>, vector<16xi32>,
      %gather3A = arith.constant 0 : i32
      %gather3A_217 = arith.constant 0 : i32
      %gather3A_218 = arith.constant 0 : i32
      %gather3A_219 = tpu.memref_slice %arg6[%scan3A_180, %gather3A, %gather3A_217, %gather3A_218] : memref<2x26x8x128xf32, #tpu.memory_space<vmem>> -> memref<1x26x8x128xf32, #tpu.memory_space<vmem>>
      %gather3A_220 = tpu.memref_squeeze %gather3A_219 : memref<1x26x8x128xf32, #tpu.memory_space<vmem>> -> memref<26x8x128xf32, #tpu.memory_space<vmem>>
      %gather3A_221 = tpu.vector_load_idx %gather3A_220[%sub3A_208, %and3A_205, %and3A_211] : memref<26x8x128xf32, #tpu.memory_space<vmem>>[vector<16xi32>, vector<16xi32>, vector<16xi32>], vector<16xf32>,
      %mul3A_222 = arith.constant 16 : i32
      %mul3A_223 = vector.broadcast %mul3A_222 : i32 to vector<16xi32>
      %mul3A_224 = arith.muli %get3A_216, %mul3A_223 : vector<16xi32>
      %add3A_225 = arith.addi %mul3A_224, %iota3A : vector<16xi32>
      %abs3A = math.absf %gather3A_221 : vector<16xf32>
      tpu.vector_store_idx %arg7[%add3A_225], %abs3A {add = true} : memref<768xf32, #tpu.memory_space<vmem>>[vector<16xi32>], vector<16xf32>,
    }
    %scan3A_185 = arith.constant 13 : i32
    %scan3A_186 = arith.constant 0 : i32
    %scan3A_187 = arith.constant 0 : i32
    %scan3A_188 = arith.constant 3 : i32
    %scan3A_189 = arith.addi %scan3A_187, %scan3A_188 : i32
    %scan3A_190 = arith.constant 1 : i32
    scf.for %scan3A_192 = %scan3A_187 to %scan3A_189 step %scan3A_190  : i32 {
      %broadcast_in_dim3A = arith.constant 0.000000e+00 : f32
      %broadcast_in_dim3A_193 = vector.broadcast %broadcast_in_dim3A : f32 to vector<16xf32>
      %scan3A_194 = arith.constant 0 : i32
      %scan3A_195 = arith.constant 16 : i32
      %scan3A_196 = arith.addi %scan3A_194, %scan3A_195 : i32
      %scan3A_197 = arith.constant 1 : i32
      %scan3A_198 = scf.for %scan3A_203 = %scan3A_194 to %scan3A_196 step %scan3A_197 iter_args(%scan3A_204 = %broadcast_in_dim3A_193) -> (vector<16xf32>)  : i32 {
        %mul3A_205 = arith.constant 16 : i32
        %mul3A_206 = arith.muli %scan3A_192, %mul3A_205 : i32
        %add3A_207 = arith.addi %mul3A_206, %scan3A_203 : i32
        %mul3A_208 = arith.constant 16 : i32
        %mul3A_209 = arith.muli %add3A_207, %mul3A_208 : i32
        %get3A = arith.index_cast %mul3A_209 : i32 to index
        %get3A_210 = tpu.vector_load %arg7[%get3A] {strides = array<i32>} : memref<768xf32, #tpu.memory_space<vmem>>, vector<16xf32>,
        %reduce_sum3A = arith.constant true
        %reduce_sum3A_211 = vector.broadcast %reduce_sum3A : i1 to vector<16xi1>
        %reduce_sum3A_212 = tpu.scan <sum>, %get3A_210 masked %reduce_sum3A_211 : vector<16xf32>, vector<16xi1> -> vector<16xf32>
        %reduce_sum3A_213 = vector.extract %reduce_sum3A_212[15] : f32 from vector<16xf32>
        %eq3A = vector.broadcast %scan3A_203 : i32 to vector<16xi32>
        %eq3A_214 = arith.cmpi eq, %iota3A, %eq3A : vector<16xi32>
        %broadcast_in_dim3A_215 = vector.broadcast %reduce_sum3A_213 : f32 to vector<16xf32>
        %select_n3A = arith.select %eq3A_214, %broadcast_in_dim3A_215, %scan3A_204 : vector<16xi1>, vector<16xf32>
        scf.yield %select_n3A : vector<16xf32>
      }
      %scan3A_199 = arith.constant 16 : i32
      %mul3A_200 = arith.constant 16 : i32
      %mul3A_201 = arith.muli %scan3A_192, %mul3A_200 : i32
      %swap3A = arith.index_cast %mul3A_201 : i32 to index
      %swap3A_202 = tpu.vector_load %arg8[%swap3A] {strides = array<i32>} : memref<48xf32, #tpu.memory_space<vmem>>, vector<16xf32>,
      tpu.vector_store %arg8[%swap3A], %scan3A_198 {strides = array<i32>} : memref<48xf32, #tpu.memory_space<vmem>>, vector<16xf32>,
    }
    %scan3A_191 = arith.constant 3 : i32
    "tpu.region"() ({
      %run_scoped3A = tpu.sem_alloc : memref<!tpu.dma_semaphore, #tpu.memory_space<semaphore_mem>>
      %dma_start3A = arith.constant 0 : i32
      %dma_start3A_192 = tpu.memref_slice %arg4[%and3A_2, %add3A, %dma_start3A] : memref<2x16x48xf32, #tpu.memory_space<hbm>> -> memref<1x1x48xf32, #tpu.memory_space<hbm>>
      %dma_start3A_193 = tpu.memref_squeeze %dma_start3A_192 : memref<1x1x48xf32, #tpu.memory_space<hbm>> -> memref<48xf32, #tpu.memory_space<hbm>>
      %dma_start3A_194 = arith.constant 0 : i32
      %dma_start3A_195 = tpu.memref_slice %arg4[%and3A_2, %add3A, %dma_start3A_194] : memref<2x16x48xf32, #tpu.memory_space<hbm>> -> memref<1x1x48xf32, #tpu.memory_space<hbm>>
      %dma_start3A_196 = tpu.memref_squeeze %dma_start3A_195 : memref<1x1x48xf32, #tpu.memory_space<hbm>> -> memref<48xf32, #tpu.memory_space<hbm>>
      tpu.enqueue_dma source(%arg8 : memref<48xf32, #tpu.memory_space<vmem>>) target(%dma_start3A_196 : memref<48xf32, #tpu.memory_space<hbm>>) target_semaphore(%run_scoped3A : memref<!tpu.dma_semaphore, #tpu.memory_space<semaphore_mem>>)
      %dma_wait3A_197 = arith.constant 0 : i32
      %dma_wait3A_198 = tpu.memref_slice %arg4[%and3A_2, %add3A, %dma_wait3A_197] : memref<2x16x48xf32, #tpu.memory_space<hbm>> -> memref<1x1x48xf32, #tpu.memory_space<hbm>>
      %dma_wait3A_199 = tpu.memref_squeeze %dma_wait3A_198 : memref<1x1x48xf32, #tpu.memory_space<hbm>> -> memref<48xf32, #tpu.memory_space<hbm>>
      %dma_wait3A_200 = arith.constant 0 : i32
      %dma_wait3A_201 = tpu.memref_slice %arg4[%and3A_2, %add3A, %dma_wait3A_200] : memref<2x16x48xf32, #tpu.memory_space<hbm>> -> memref<1x1x48xf32, #tpu.memory_space<hbm>>
      %dma_wait3A_202 = tpu.memref_squeeze %dma_wait3A_201 : memref<1x1x48xf32, #tpu.memory_space<hbm>> -> memref<48xf32, #tpu.memory_space<hbm>>
      tpu.wait_dma2 semaphore(%run_scoped3A : memref<!tpu.dma_semaphore, #tpu.memory_space<semaphore_mem>>) src(%arg8 : memref<48xf32, #tpu.memory_space<vmem>>) dst(%dma_wait3A_202 : memref<48xf32, #tpu.memory_space<hbm>>)
      tpu.yield
    }) : () -> ()
    return
  }
}

module attributes {stable_mosaic.version = 14 : i64} {
  func.func @combine(%arg0: memref<2x16x48xf32, #tpu.memory_space<vmem>>, %arg1: memref<16x48xf32, #tpu.memory_space<vmem>>) attributes {dimension_semantics = [], scalar_prefetch = 0 : i64, scratch_operands = 0 : i64, tpu.core_type = #tpu.core_type<tc>} {
    %get3A = arith.constant 0 : index
    %get3A_0 = arith.constant 0 : index
    %get3A_1 = arith.constant 0 : index
    %get3A_2 = vector.load %arg0[%get3A, %get3A_0, %get3A_1] : memref<2x16x48xf32, #tpu.memory_space<vmem>>, vector<1x16x48xf32>
    %get3A_3 = vector.shape_cast %get3A_2 : vector<1x16x48xf32> to vector<16x48xf32>
    %get3A_4 = arith.constant 1 : index
    %get3A_5 = arith.constant 0 : index
    %get3A_6 = arith.constant 0 : index
    %get3A_7 = vector.load %arg0[%get3A_4, %get3A_5, %get3A_6] : memref<2x16x48xf32, #tpu.memory_space<vmem>>, vector<1x16x48xf32>
    %get3A_8 = vector.shape_cast %get3A_7 : vector<1x16x48xf32> to vector<16x48xf32>
    %add3A = arith.addf %get3A_3, %get3A_8 : vector<16x48xf32>
    %swap3A = arith.constant 0 : index
    %swap3A_9 = arith.constant 0 : index
    %swap3A_10 = vector.load %arg1[%swap3A, %swap3A_9] : memref<16x48xf32, #tpu.memory_space<vmem>>, vector<16x48xf32>
    tpu.vector_store %arg1[%swap3A, %swap3A_9], %add3A {strides = array<i32>} : memref<16x48xf32, #tpu.memory_space<vmem>>, vector<16x48xf32>,
    return
  }
}

</mosaic_0001>

<sc_bundles>
// kernel: kernel.4.cloned.1.call-start
scs
__scs_entry_jumppad:
0x0: {  	(pc) =	sbr.rel $0x88, $3  }
0x1: {  	(tag) =	ssettag $0x0;
	lr =	simm.s32 $0x1  }
0x2: {  	[smem:$0x3F9F] =	sst lr;
	_ =	strace $0xD0000000  }
0x3: {  	_ = 	snop  }
0x4: {  	_ = 	snop  }
0x5: {  	_ = 	snop  }
0x6: {  	_ = 	snop  }
0x7: {  	_ = 	snop  }
__scs_overlays_trampoline_lowered:
0x8: {  	[smem:$0x3FAE] =	sst s0  }
0x9: {  	[smem:$0x3FAF] =	sst s1  }
0xa: {  	[smem:$0x3FB0] =	sst s2  }
0xb: {  	[smem:$0x3FB1] =	sst s3  }
0xc: {  	[smem:$0x3FB2] =	sst s4  }
0xd: {  	[smem:$0x3FB3] =	sst s5  }
0xe: {  	[smem:$0x3FB4] =	sst s6  }
0xf: {  	[smem:$0x3FB5] =	sst s7  }
0x10: {  	[smem:$0x3FB6] =	sst s8  }
0x11: {  	[smem:$0x3FB7] =	sst s9;
	s0 =	simm.s32 @!p0 $0x0  }
0x12: {  	s1 =	sld [smem:$0x3F9D];
	s0 =	simm.s32 @p0 $0x1  }
0x13: {  	[smem:$0x3FB8] =	sst s0;
	s0 =	simm.s32 @!p1 $0x0  }
0x14: {  	s2 =	sld [smem:$0x3F9C];
	s0 =	simm.s32 @p1 $0x1  }
0x15: {  	[smem:$0x3FB9] =	sst s0;
	s0 =	simm.s32 @!p2 $0x0  }
0x16: {  	s3 =	sld [smem:$0x3FDB];
	s0 =	simm.s32 @p2 $0x1  }
0x17: {  	s4 =	simm.s32 $0x1BF5;
	[smem:$0x3FBB] =	sst s0  }
0x18: {  	s0 =	sld [smem:$0x3F9E];
	_ =	swait.ge [sflag:s4], $0x0  }
0x19: {  	s7 =	sld [smem:$0x3F9F]  }
0x1a: {  	s8 =	sadd.s32 $0xFFFFE003, lr  }
0x1b: {  	s9 =	sadd.s32 $0xFFFFFEF7, lr;
	s5 =	simm.s32 $0xFFFFFFFF;
	p2 =	slt.u32 s8, $0xFFFFF086  }
0x1c: {  	p1 =	slt.u32 s9, $0xF7A;
	s5 =	simm.s32 @!p2 $0x0  }
0x1d: {  	s5 =	simm.s32 @p1 $0x1;
	p0 =	seq.s32 s7, s2  }
0x1e: {  	s7 =	smul.u32 @!p0 $0xF7A, s2;
	p2 =	seq.s32 @!p0 s5, $0x0  }
0x1f: {  	s9 =	smul.u32 $0xF7A, s1;
	s8 =	simm.s32 @!p0 $0x1BF5;
	p2 =	por !p2, p0  }
0x20: {  	[sflag:s8] =	ssyncset.s32 @!p0 $0xFFFFF086;
	s6 =	sadd.s32 @!p0 s3, s7;
	s7 =	simm.s32 @!p0 $0x108  }
0x21: {  	s3 =	sadd.s32 s3, s9;
	s6 =	sadd.s32 @!p0 $0x88, s6;
	s7 =	simm.s32 @p2 $0x1082  }
0x22: {  	[simem:s7], [sflag:s8] =	dma.local @!p0 [hbm:s6], $0xF7A  }
0x23: {  	s9 =	sor.u32 $0xD0000000, s2;
	s6 =	simm.s32 $0x108;
	_ =	swait.ge @!p0 [sflag:s8], $0x0  }
0x24: {  	s3 =	sadd.s32 $0x88, s3;
	s6 =	simm.s32 @!p1 $0x1082;
	[sflag:s4] =	ssyncset.s32 $0xFFFFF086  }
0x25: {  	[simem:s6], [sflag:s4] =	dma.local [hbm:s3], $0xF7A  }
0x26: {  	[smem:$0x3F9F] =	sst s1;
	(tag) =	ssettag s2;
	_ =	strace s9  }
0x27: {  	s1 =	sld [smem:$0x3FAF]  }
0x28: {  	s2 =	sld [smem:$0x3FB0]  }
0x29: {  	s4 =	sld [smem:$0x3FB2]  }
0x2a: {  	p0 =	seq.s32 s5, $0x0;
	s5 =	sld [smem:$0x3FB3]  }
0x2b: {  	s6 =	sld [smem:$0x3FB4]  }
0x2c: {  	s7 =	sld [smem:$0x3FB5]  }
0x2d: {  	s3 =	simm.s32 $0x108;
	s8 =	sld [smem:$0x3FB6]  }
0x2e: {  	s3 =	simm.s32 @!p0 $0x1082;
	s9 =	sld [smem:$0x3FB7]  }
0x2f: {  	lr =	sadd.s32 s0, s3;
	s0 =	sld [smem:$0x3FAE]  }
0x30: {  	s3 =	sld [smem:$0x3FB1]  }
0x31: {  	[smem:$0x3FBA] =	sst s10  }
0x32: {  	s10 =	sld [smem:$0x3FB8];
	_ =	sdelay $0x3  }
0x33: {  	p0 =	seq.s32 s10, $0x1;
	s10 =	sld [smem:$0x3FBA];
	_ =	sdelay $0x3  }
0x34: {  	[smem:$0x3FBA] =	sst s10  }
0x35: {  	s10 =	sld [smem:$0x3FB9];
	_ =	sdelay $0x3  }
0x36: {  	p1 =	seq.s32 s10, $0x1;
	s10 =	sld [smem:$0x3FBA];
	_ =	sdelay $0x3  }
0x37: {  	[smem:$0x3FBA] =	sst s10  }
0x38: {  	s10 =	sld [smem:$0x3FBB]  }
0x39: {  	_ = 	snop;
	(pc) =	sbr.ind lr, $3  }
0x3a: {  	_ = 	snop  }
0x3b: {  	_ = 	snop  }
0x3c: {  	p2 =	seq.s32 s10, $0x1;
	s10 =	sld [smem:$0x3FBA]  }
0x3d: {  	_ =	shalt  }
0x3e: {  	_ =	shalt  }
0x3f: {  	_ =	shalt  }
0x40: {  	_ =	shalt  }
0x41: {  	_ =	shalt  }
0x42: {  	_ =	shalt  }
0x43: {  	_ =	shalt  }
0x44: {  	_ =	shalt  }
0x45: {  	_ =	shalt  }
0x46: {  	_ =	shalt  }
0x47: {  	_ =	shalt  }
0x48: {  	_ =	shalt  }
0x49: {  	_ =	shalt  }
0x4a: {  	_ =	shalt  }
0x4b: {  	_ =	shalt  }
0x4c: {  	_ =	shalt  }
0x4d: {  	_ =	shalt  }
0x4e: {  	_ =	shalt  }
0x4f: {  	_ =	shalt  }
0x50: {  	_ =	shalt  }
0x51: {  	_ =	shalt  }
0x52: {  	_ =	shalt  }
0x53: {  	_ =	shalt  }
0x54: {  	_ =	shalt  }
0x55: {  	_ =	shalt  }
0x56: {  	_ =	shalt  }
0x57: {  	_ =	shalt  }
0x58: {  	_ =	shalt  }
0x59: {  	_ =	shalt  }
0x5a: {  	_ =	shalt  }
0x5b: {  	_ =	shalt  }
0x5c: {  	_ =	shalt  }
0x5d: {  	_ =	shalt  }
0x5e: {  	_ =	shalt  }
0x5f: {  	_ =	shalt  }
0x60: {  	_ =	shalt  }
0x61: {  	_ =	shalt  }
0x62: {  	_ =	shalt  }
0x63: {  	_ =	shalt  }
0x64: {  	_ =	shalt  }
0x65: {  	_ =	shalt  }
0x66: {  	_ =	shalt  }
0x67: {  	_ =	shalt  }
0x68: {  	_ =	shalt  }
0x69: {  	_ =	shalt  }
0x6a: {  	_ =	shalt  }
0x6b: {  	_ =	shalt  }
0x6c: {  	_ =	shalt  }
0x6d: {  	_ =	shalt  }
0x6e: {  	_ =	shalt  }
0x6f: {  	_ =	shalt  }
0x70: {  	_ =	shalt  }
0x71: {  	_ =	shalt  }
0x72: {  	_ =	shalt  }
0x73: {  	_ =	shalt  }
0x74: {  	_ =	shalt  }
0x75: {  	_ =	shalt  }
0x76: {  	_ =	shalt  }
0x77: {  	_ =	shalt  }
0x78: {  	_ =	shalt  }
0x79: {  	_ =	shalt  }
0x7a: {  	_ =	shalt  }
0x7b: {  	_ =	shalt  }
0x7c: {  	_ =	shalt  }
0x7d: {  	_ =	shalt  }
0x7e: {  	_ =	shalt  }
0x7f: {  	_ =	shalt  }
0x80: {  	_ =	shalt  }
0x81: {  	_ =	shalt  }
0x82: {  	_ =	shalt  }
0x83: {  	_ =	shalt  }
0x84: {  	_ =	shalt  }
0x85: {  	_ =	shalt  }
0x86: {  	_ =	shalt  }
0x87: {  	_ =	shalt  }
.Lfunc_end0:
.L_simem_size_0:
called_computation_lowered:
.L_overlay_start_0:
0x88: {  	s2 =	sld [smem:$0x3FD9]  }
0x89: {  	s3 =	sld [smem:$0x3FFE];
	_ =	sdelay $0x1  }
0x8a: {  	s1 =	srdreg.scid  }
0x8b: {  	s0 =	sand.u32 $0x1, s1  }
0x8c: {  	s17 =	sshll.u32 s0, $0xA;
	s2 =	sadd.s32 s3, s2  }
0x8d: {  	s2 =	sadd.s32 s2, s17  }
0x8e: {  	[smem:$0x3FC6] =	sst s2  }
0x8f: {  	_ = 	snop  }
0x90: {  	s2 =	sld [smem:$0x3FC9]  }
0x91: {  	s18 =	sld [smem:$0x3FC8];
	(tm) =	ssettm $0x1  }
0x92: {  	s4 =	sld [smem:$0x3FFB];
	_ =	sdelay $0x3  }
0x93: {  	_ =	strace s4  }
0x94: {  	s4 =	sld [smem:$0x3FFC];
	_ =	sdelay $0x3  }
0x95: {  	_ =	strace s4  }
0x96: {  	s4 =	sld [smem:$0x3FFD];
	_ =	sdelay $0x3  }
0x97: {  	_ =	strace s4  }
0x98: {  	_ =	strace $0x8FFFFFFF  }
0x99: {  	s19 =	sld [smem:$0x3FDB];
	_ =	sdelay $0x1  }
0x9a: {  	s5 =	simm.s32 $_scs_section_size  }
0x9b: {  	s6 =	simm.s32 $_size__tile_overlayer_lowered;
	s7 =	simm.s32 $_tile_overlayer_lowered  }
0x9c: {  	s22 =	simm.s32 $0x1BFF;
	s21 =	sshll.u32 s7, $0x1;
	s4 =	sadd.s32 s5, s19  }
0x9d: {  	s8 =	simm.s32 $0x0;
	s20 =	sshll.u32 s6, $0x1;
	s6 =	sadd.s32 s21, s4  }
0x9e: {  	[timem:s8], [sflag:s22] =	dma.local [hbm:s6], s20  }
0x9f: {  	_ =	swait.ge [sflag:s22], s20  }
0xa0: {  	s5 =	ssub.s32 $0x0, s20;
	[sflag:s22] =	ssyncset.done $0x0  }
0xa1: {  	[sflag:s22] =	ssyncadd.s32 s5;
	_ =	sdelay $0x1  }
0xa2: {  	s23 =	simm.s32 $0x1B8B  }
0xa3: {  	_ =	swait.ge [sflag:s23], $0x1  }
0xa4: {  	[sflag:s23] =	ssyncset.done $0x0  }
0xa5: {  	s25 =	simm.s32 $0x1B8E;
	s24 =	sld [smem:$0x3FFE];
	[sflag:s23] =	ssyncadd.s32 $0xFFFFFFFF  }
0xa6: {  	s26 =	simm.s32 $execute0_lowered;
	[smem:$0x3FD2] =	sst s25  }
0xa7: {  	s6 =	sshll.u32 s26, $0x1;
	_ =	strace $0x80000046;
	[dreg:$0x1] =	wrdreg $0xFFFFFFFF  }
0xa8: {  	s28 =	simm.s32 $_size_execute0_lowered;
	s4 =	sadd.s32 s4, s6;
	[dreg:$0x0] =	wrdreg $0x0  }
0xa9: {  	s6 =	sshll.u32 s28, $0x1;
	[dreg:$0x2] =	wrdreg s4  }
0xaa: {  	[dreg:$0x3] =	wrdreg s6  }
0xab: {  	[dreg:$0x4] =	wrdreg $0xC0  }
0xac: {  	_ =	task [dreg:s8], $0x5FFFF  }
0xad: {  	[dreg:$0x1] =	wrdreg $0xFFFFFFFF  }
0xae: {  	[dreg:$0x0] =	wrdreg $0x60  }
0xaf: {  	[dreg:$0x2] =	wrdreg s2  }
0xb0: {  	[dreg:$0x3] =	wrdreg s18  }
0xb1: {  	[dreg:$0x4] =	wrdreg s24  }
0xb2: {  	[dreg:$0x5] =	wrdreg $0x9  }
0xb3: {  	_ =	task.clear_ibuf [dreg:s8], $0x6FFFF;
	_ =	strace $0x90000046  }
0xb4: {  	s29 =	simm.s32 $0x9;
	_ =	strace $0x80000048  }
0xb5: {  	_ =	swait.ge [sflag:s29], $0x1  }
0xb6: {  	[sflag:s29] =	ssyncadd.s32 $0xFFFFFFFF  }
0xb7: {  	_ =	strace $0x90000048  }
0xb8: {  	_ =	sfence  }
0xb9: {  	s30 =	sld [smem:$0x0];
	_ =	sdelay $0x2  }
0xba: {  	s31 =	sshll.u32 s1, $0xD;
	s1 =	sshrl.u32 s1, $0x2  }
0xbb: {  	s3 =	sand.u32 $0x4000, s31;
	s1 =	sadd.s32 s1, s30  }
0xbc: {  	s0 =	sor.u32 s3, s0;
	s1 =	sshll.u32 s1, $0x11  }
0xbd: {  	s0 =	sor.u32 s1, s0  }
0xbe: {  	s0 =	sadd.s32 $0x8F2B, s0  }
0xbf: {  	[sflag:s0] =	ssyncadd.remote.s32 $0x1  }
0xc0: {  	_ =	sfence.sel $0xFFFF  }
0xc1: {  	[dreg:$0x0] =	wrdreg $0xFFFFFFFF;
	(pc) =	sbr.abs _section_cstart, $3  }
0xc2: {  	[dreg:$0x1] =	wrdreg $0xFFFFFFFF  }
0xc3: {  	_ =	task.clear_ibuf [dreg:s8], $0x2FFFF;
	_ =	strace $0x9FFFFFFF  }
0xc4: {  	(tm) =	ssettm $0x7FFFFFFF  }
0xc5: {  	_ =	shalt  }
tec
execute0_lowered:
.L_overlay_start_1:
0x0: {  	(tag) =	ssettag $0x1  }
0x1: {  	s1 =	rddreg [dreg:$0x0];
	s11 =	stileid.u32  }
0x2: {  	s0 =	rddreg [dreg:$0x1];
	s4 =	srdreg.scid;
	s6 =	sand.u32 $0x1, s11  }
0x3: {  	s2 =	rddreg [dreg:$0x2];
	s5 =	sand.u32 $0x1, s4;
	s4 =	smul.u32 $0x410, s6  }
0x4: {  	s3 =	simm.s32 $0x0;
	s31 =	sshrl.u32 s11, $0x1;
	s9 =	smul.u32 $0x82, s6  }
0x5: {  	s7 =	sshll.u32 s5, $0x7;
	s29 =	ssub.s32 $0x2, s5;
	s5 =	smul.u32 $0x2288000, s5  }
0x6: {  	[smem:$0x7FF] =	sst s3;
	s11 =	smul.u32 $0x451000, s31  }
0x7: {  	s30 =	simm.s32 $0x0;
	_ =	strace $0x80000047;
	s22 =	smul.u32 $0x228800, s6  }
0x8: {  	s21 =	sshll.u32 s6, $0x8;
	s6 =	smul.u32 $0x2080, s6;
	s8 =	sshrl.u32 s29, $0x1  }
0x9: {  	s2 =	sadd.s32 s7, s2;
	s10 =	sshrl.u32 s4, $0x3;
	s7 =	ssub.s32 s29, s8  }
0xa: {  	s12 =	sadd.s32 $0x1A, s9;
	s24 =	sadd.s32 $0x34, s9;
	s25 =	sadd.s32 $0x4E, s9  }
0xb: {  	s8 =	sshll.u32 s31, $0x4;
	s2 =	sadd.s32 s21, s2;
	s5 =	sadd.s32 s11, s5  }
0xc: {  	s28 =	sadd.s32 $0x68, s9;
	s26 =	sadd.s32 $0x680, s6;
	s31 =	sadd.s32 $0xD00, s6  }
0xd: {  	s14 =	sadd.s32 $0xD0, s4;
	s15 =	sadd.s32 $0x1380, s6;
	s17 =	sadd.s32 $0x1A0, s4  }
0xe: {  	s18 =	sadd.s32 $0x1A00, s6;
	s20 =	sadd.s32 $0x270, s4;
	s21 =	sadd.s32 $0x340, s4  }
0xf: {  	s0 =	sadd.s32 s0, s10;
	s2 =	sadd.s32 s8, s2;
	[dreg:$0x7] =	wrdreg s26  }
0x10: {  	s8 =	sadd.s32 s22, s5;
	s23 =	smax.u32 s7, $0x1;
	[dreg:$0x9] =	wrdreg s31  }
0x11: {  	s22 =	simm.s32 $0x3;
	v3 =	vmov s24;
	v4 =	vmov s25;
	s24 =	simm.s32 $0xD480;
	s25 =	simm.s32 $0x2  }
0x12: {  	s26 =	simm.s32 $0x6C80;
	v5 =	vmov s28;
	s28 =	simm.s32 $0x480;
	[dreg:$0x4] =	wrdreg s0  }
0x13: {  	v2 =	vlaneseq.u32;
	s2 =	sadd.s32 $0x600, s2;
	[dreg:$0x6] =	wrdreg s23;
	s29 =	sadd.s32 $0x6E800, s8  }
0x14: {  	v6 =	vimm.f32 $0.0e+00;
	v7 =	vand.u32 $0x7, v2;
	s13 =	sadd.s32 $0xDD000, s8;
	s16 =	sadd.s32 $0x14B800, s8;
	[dreg:$0x5] =	wrdreg s2  }
0x15: {  	v7 =	vmul.u32 $0x80, v7;
	v0 =	vmov s9;
	v1 =	vmov s12;
	s19 =	sadd.s32 $0x1BA000, s8;
	s23 =	simm.s32 $0x1;
	[dreg:$0x8] =	wrdreg s29  }
.LBB2_1:
0x16: {  	[tilespmem:$0xD480] =	vst v6  }
0x17: {  	[tilespmem:$0xD490] =	vst v6  }
0x18: {  	[tilespmem:$0xD4A0] =	vst v6  }
0x19: {  	[tilespmem:$0xD4B0] =	vst v6  }
0x1a: {  	[tilespmem:$0xD4C0] =	vst v6  }
0x1b: {  	[tilespmem:$0xD4D0] =	vst v6  }
0x1c: {  	[tilespmem:$0xD4E0] =	vst v6  }
0x1d: {  	[tilespmem:$0xD4F0] =	vst v6  }
0x1e: {  	[tilespmem:$0xD500] =	vst v6  }
0x1f: {  	[tilespmem:$0xD510] =	vst v6  }
0x20: {  	[tilespmem:$0xD520] =	vst v6  }
0x21: {  	[tilespmem:$0xD530] =	vst v6  }
0x22: {  	[tilespmem:$0xD540] =	vst v6  }
0x23: {  	[tilespmem:$0xD550] =	vst v6  }
0x24: {  	[tilespmem:$0xD560] =	vst v6  }
0x25: {  	[tilespmem:$0xD570] =	vst v6  }
0x26: {  	[tilespmem:$0xD580] =	vst v6  }
0x27: {  	[tilespmem:$0xD590] =	vst v6  }
0x28: {  	[tilespmem:$0xD5A0] =	vst v6  }
0x29: {  	[tilespmem:$0xD5B0] =	vst v6  }
0x2a: {  	[tilespmem:$0xD5C0] =	vst v6  }
0x2b: {  	[tilespmem:$0xD5D0] =	vst v6  }
0x2c: {  	[tilespmem:$0xD5E0] =	vst v6  }
0x2d: {  	[tilespmem:$0xD5F0] =	vst v6  }
0x2e: {  	[tilespmem:$0xD600] =	vst v6  }
0x2f: {  	[tilespmem:$0xD610] =	vst v6  }
0x30: {  	[tilespmem:$0xD620] =	vst v6  }
0x31: {  	[tilespmem:$0xD630] =	vst v6  }
0x32: {  	[tilespmem:$0xD640] =	vst v6  }
0x33: {  	[tilespmem:$0xD650] =	vst v6  }
0x34: {  	[tilespmem:$0xD660] =	vst v6  }
0x35: {  	[tilespmem:$0xD670] =	vst v6  }
0x36: {  	[tilespmem:$0xD680] =	vst v6  }
0x37: {  	[tilespmem:$0xD690] =	vst v6  }
0x38: {  	[tilespmem:$0xD6A0] =	vst v6  }
0x39: {  	[tilespmem:$0xD6B0] =	vst v6  }
0x3a: {  	[tilespmem:$0xD6C0] =	vst v6  }
0x3b: {  	[tilespmem:$0xD6D0] =	vst v6  }
0x3c: {  	[tilespmem:$0xD6E0] =	vst v6  }
0x3d: {  	[tilespmem:$0xD6F0] =	vst v6  }
0x3e: {  	[tilespmem:$0xD700] =	vst v6  }
0x3f: {  	[tilespmem:$0xD710] =	vst v6  }
0x40: {  	[tilespmem:$0xD720] =	vst v6  }
0x41: {  	[tilespmem:$0xD730] =	vst v6  }
0x42: {  	[tilespmem:$0xD740] =	vst v6;
	s0 =	sand.u32 $0xFFFFFC00, s6  }
0x43: {  	[tilespmem:$0xD750] =	vst v6;
	s0 =	sadd.s32 s0, s8  }
0x44: {  	[tilespmem:$0xD760] =	vst v6;
	s0 =	sshrl.u32 s0, $0x3  }
0x45: {  	[tilespmem:$0xD770] =	vst v6;
	s2 =	sadd.s32 $0x4400, s8;
	s0 =	sadd.s32 s1, s0  }
0x46: {  	[tilespmem:s28], [sflag:$0x1] =	stream.linear.gather [hbm4b:s0+s3], $0x400, $0x38;
	[tilespmem:$0xD800] =	vst v63  }
0x47: {  	s5 =	sadd.s32 $0x40, s6;
	s7 =	simm.s32 $0x480;
	s0 =	simm.s32 $0x40  }
.LBB2_2:
0x48: {  	s9 =	sand.u32 $0xFFFFFC00, s5;
	p0 =	sne.s32 s0, $0x640;
	s0 =	sadd.s32 $0x40, s0  }
.Ltmp0:
0x49: {  	s9 =	sadd.s32 s9, s2;
	(pc) =	sbr.rel @p0 .LBB2_2-.Ltmp0, $4  }
0x4a: {  	s9 =	sshrl.u32 s9, $0x3  }
0x4b: {  	s7 =	sadd.s32 $0x400, s7;
	s9 =	sadd.s32 s1, s9  }
0x4c: {  	[tilespmem:s7], [sflag:$0x1] =	stream.linear.gather [hbm4b:s9+s3], $0x400, $0x38;
	[tilespmem:$0xD800] =	vst v63  }
0x4d: {  	s5 =	sadd.s32 $0x40, s5;
	s2 =	sadd.s32 $0x4400, s2  }
0x4e: {  	s0 =	simm.s32 $0x0;
	s2 =	rddreg [dreg:$0x4]  }
0x4f: {  	[tilespmem:s0], [sflag:$0x3] =	stream.linear.gather [hbm4b:s2+s0], $0x410, $0x38;
	[tilespmem:$0xD800] =	vst v63  }
0x50: {  	s7 =	rddreg [dreg:$0x7];
	_ =	swait.ge [sflag:s22], $0x410  }
0x51: {  	s29 =	sand.u32 $0xFFFFFC00, s7;
	s5 =	rddreg [dreg:$0x8]  }
0x52: {  	s0 =	sadd.s32 s29, s5  }
0x53: {  	[sflag:s22] =	ssyncset.done $0x0;
	s31 =	sshrl.u32 s0, $0x3  }
0x54: {  	[sflag:s22] =	ssyncadd.s32 $0xFFFFFBF0;
	s0 =	simm.s32 $0x6C80;
	s2 =	sadd.s32 s1, s31  }
0x55: {  	[tilespmem:s0], [sflag:$0x2] =	stream.linear.gather [hbm4b:s2+s3], $0x400, $0x38;
	[tilespmem:$0xD800] =	vst v63  }
0x56: {  	s7 =	sadd.s32 $0x40, s7;
	s5 =	sadd.s32 $0x4400, s5;
	s2 =	simm.s32 $0x40  }
.LBB2_4:
0x57: {  	s9 =	sand.u32 $0xFFFFFC00, s7;
	p0 =	sne.s32 s2, $0x640;
	s2 =	sadd.s32 $0x40, s2  }
.Ltmp1:
0x58: {  	s9 =	sadd.s32 s9, s5;
	(pc) =	sbr.rel @p0 .LBB2_4-.Ltmp1, $4  }
0x59: {  	s9 =	sshrl.u32 s9, $0x3  }
0x5a: {  	s0 =	sadd.s32 $0x400, s0;
	s9 =	sadd.s32 s1, s9  }
0x5b: {  	[tilespmem:s0], [sflag:$0x2] =	stream.linear.gather [hbm4b:s9+s3], $0x400, $0x38;
	[tilespmem:$0xD800] =	vst v63  }
0x5c: {  	s7 =	sadd.s32 $0x40, s7;
	s5 =	sadd.s32 $0x4400, s5  }
0x5d: {  	v8 =	vor.u32 s4, v2  }
0x5e: {  	v9 =	vshrl.u32 v8, $0x3  }
0x5f: {  	_ =	swait.ge [sflag:s23], $0x6800;
	v9 =	vsub.s32 v9, v0  }
0x60: {  	[sflag:s23] =	ssyncset.done $0x0;
	v8 =	vand.u32 $0x7F, v8;
	v9 =	vshll.u32 v9, $0xA  }
0x61: {  	s0 =	simm.s32 $0x0;
	[sflag:s23] =	ssyncadd.s32 $0xFFFF9800;
	v8 =	vor.u32 v8, v9  }
0x62: {  	v9 =	vld [tilespmem:s0+$0x0];
	v8 =	vor.u32 v7, v8;
	_ =	sdelay $0x3  }
0x63: {  	s0 =	simm.s32 $0x480  }
0x64: {  	s2 =	sadd.s32 $0x10, s4;
	v9 =	vshll.u32 v9, $0x4;
	v8 =	vld.idx.msk [tilespmem:v8+s0+$0x0], $0xffff  }
0x65: {  	s31 =	simm.s32 $0x40;
	s29 =	simm.s32 $0x80;
	s5 =	simm.s32 $0x40;
	v10 =	vor.u32 s2, v2;
	v9 =	vor.u32 v2, v9  }
.LBB2_6:
0x66: {  	p0 =	sne.s32 s29, $0x300;
	v11 =	vshrl.u32 v10, $0x3  }
0x67: {  	v11 =	vsub.s32 v11, v0  }
0x68: {  	v10 =	vand.u32 $0x7F, v10;
	v11 =	vshll.u32 v11, $0xA  }
0x69: {  	v8 =	vand.u32 $0x7FFFFFFF, v8;
	v10 =	vor.u32 v10, v11  }
0x6a: {  	s7 =	sshra.s32 s5, $0x2;
	s5 =	smov.u32 s29;
	v10 =	vor.u32 v7, v10;
	[tilespmem:v9+s24+$0x0] =	vst.idx.add.f32.msk $0xffff, v8  }
0x6b: {  	v9 =	vld [tilespmem:s7+$0x0];
	_ =	sdelay $0x1  }
.Ltmp2:
0x6c: {  	(pc) =	sbr.rel @p0 .LBB2_6-.Ltmp2, $4  }
0x6d: {  	_ = 	snop  }
0x6e: {  	v8 =	vld.idx.msk [tilespmem:v10+s0+$0x0], $0xffff  }
0x6f: {  	s2 =	sadd.s32 $0x10, s2;
	v9 =	vshll.u32 v9, $0x4  }
0x70: {  	s29 =	sadd.s32 $0x40, s29;
	v10 =	vor.u32 s2, v2;
	v9 =	vor.u32 v2, v9  }
0x71: {  	_ = 	snop  }
0x72: {  	v11 =	vshrl.u32 v10, $0x3  }
0x73: {  	v11 =	vsub.s32 v11, v0  }
0x74: {  	v63 =	vand.u32 $0x7F, v10;
	v11 =	vshll.u32 v11, $0xA;
	v8 =	vand.u32 $0x7FFFFFFF, v8  }
0x75: {  	s0 =	sshra.s32 s5, $0x2;
	v10 =	vor.u32 v63, v11;
	[tilespmem:v9+s24+$0x0] =	vst.idx.add.f32.msk $0xffff, v8  }
0x76: {  	v8 =	vor.u32 v7, v10;
	v9 =	vld [tilespmem:s0+$0x0];
	_ =	sdelay $0x3  }
0x77: {  	s0 =	simm.s32 $0x480  }
0x78: {  	v8 =	vld.idx.msk [tilespmem:v8+s0+$0x0], $0xffff;
	v9 =	vshll.u32 v9, $0x4  }
0x79: {  	v9 =	vor.u32 v2, v9  }
0x7a: {  	s29 =	rddreg [dreg:$0x9]  }
0x7b: {  	s2 =	sand.u32 $0xFFFFFC00, s29  }
0x7c: {  	s2 =	sadd.s32 s2, s13  }
0x7d: {  	s2 =	sshrl.u32 s2, $0x3;
	v8 =	vand.u32 $0x7FFFFFFF, v8  }
0x7e: {  	s2 =	sadd.s32 s1, s2;
	[tilespmem:v9+s24+$0x0] =	vst.idx.add.f32.msk $0xffff, v8  }
0x7f: {  	[tilespmem:s0], [sflag:$0x1] =	stream.linear.gather [hbm4b:s2+s3], $0x400, $0x38;
	[tilespmem:$0xD800] =	vst v63  }
0x80: {  	s5 =	sadd.s32 $0x40, s29;
	s2 =	sadd.s32 $0x4400, s13  }
.LBB2_8:
0x81: {  	s7 =	sand.u32 $0xFFFFFC00, s5;
	p0 =	sne.s32 s31, $0x640;
	s31 =	sadd.s32 $0x40, s31  }
.Ltmp3:
0x82: {  	s7 =	sadd.s32 s7, s2;
	(pc) =	sbr.rel @p0 .LBB2_8-.Ltmp3, $4  }
0x83: {  	s7 =	sshrl.u32 s7, $0x3  }
0x84: {  	s0 =	sadd.s32 $0x400, s0;
	s7 =	sadd.s32 s1, s7  }
0x85: {  	[tilespmem:s0], [sflag:$0x1] =	stream.linear.gather [hbm4b:s7+s3], $0x400, $0x38;
	[tilespmem:$0xD800] =	vst v63  }
0x86: {  	s5 =	sadd.s32 $0x40, s5;
	s2 =	sadd.s32 $0x4400, s2  }
0x87: {  	v8 =	vor.u32 s14, v2  }
0x88: {  	v9 =	vshrl.u32 v8, $0x3  }
0x89: {  	_ =	swait.ge [sflag:s25], $0x6800;
	v9 =	vsub.s32 v9, v1  }
0x8a: {  	[sflag:s25] =	ssyncset.done $0x0;
	v8 =	vand.u32 $0x7F, v8;
	v9 =	vshll.u32 v9, $0xA  }
0x8b: {  	s0 =	simm.s32 $0x0;
	[sflag:s25] =	ssyncadd.s32 $0xFFFF9800;
	v8 =	vor.u32 v8, v9  }
0x8c: {  	v9 =	vld [tilespmem:s0+$0xD0];
	v8 =	vor.u32 v7, v8;
	_ =	sdelay $0x3  }
0x8d: {  	s0 =	simm.s32 $0x6C80  }
0x8e: {  	s2 =	sadd.s32 $0x10, s14;
	v9 =	vshll.u32 v9, $0x4;
	v8 =	vld.idx.msk [tilespmem:v8+s0+$0x0], $0xffff  }
0x8f: {  	s31 =	simm.s32 $0x40;
	s29 =	simm.s32 $0x80;
	s5 =	simm.s32 $0x40;
	v10 =	vor.u32 s2, v2;
	v9 =	vor.u32 v2, v9  }
.LBB2_10:
0x90: {  	p0 =	sne.s32 s29, $0x300;
	v11 =	vshrl.u32 v10, $0x3  }
0x91: {  	v11 =	vsub.s32 v11, v1  }
0x92: {  	v10 =	vand.u32 $0x7F, v10;
	v11 =	vshll.u32 v11, $0xA  }
0x93: {  	v8 =	vand.u32 $0x7FFFFFFF, v8;
	v10 =	vor.u32 v10, v11  }
0x94: {  	s7 =	sshra.s32 s5, $0x2;
	s5 =	smov.u32 s29;
	v10 =	vor.u32 v7, v10;
	[tilespmem:v9+s24+$0x0] =	vst.idx.add.f32.msk $0xffff, v8  }
0x95: {  	v9 =	vld [tilespmem:s7+$0xD0];
	_ =	sdelay $0x1  }
.Ltmp4:
0x96: {  	(pc) =	sbr.rel @p0 .LBB2_10-.Ltmp4, $4  }
0x97: {  	_ = 	snop  }
0x98: {  	v8 =	vld.idx.msk [tilespmem:v10+s0+$0x0], $0xffff  }
0x99: {  	s2 =	sadd.s32 $0x10, s2;
	v9 =	vshll.u32 v9, $0x4  }
0x9a: {  	s29 =	sadd.s32 $0x40, s29;
	v10 =	vor.u32 s2, v2;
	v9 =	vor.u32 v2, v9  }
0x9b: {  	_ = 	snop  }
0x9c: {  	v11 =	vshrl.u32 v10, $0x3  }
0x9d: {  	v11 =	vsub.s32 v11, v1  }
0x9e: {  	v63 =	vand.u32 $0x7F, v10;
	v11 =	vshll.u32 v11, $0xA;
	v8 =	vand.u32 $0x7FFFFFFF, v8  }
0x9f: {  	s0 =	sshra.s32 s5, $0x2;
	v10 =	vor.u32 v63, v11;
	[tilespmem:v9+s24+$0x0] =	vst.idx.add.f32.msk $0xffff, v8  }
0xa0: {  	v8 =	vor.u32 v7, v10;
	v9 =	vld [tilespmem:s0+$0xD0];
	_ =	sdelay $0x3  }
0xa1: {  	s0 =	simm.s32 $0x6C80  }
0xa2: {  	v8 =	vld.idx.msk [tilespmem:v8+s0+$0x0], $0xffff;
	v9 =	vshll.u32 v9, $0x4  }
0xa3: {  	v9 =	vor.u32 v2, v9;
	_ =	sdelay $0x1  }
0xa4: {  	s2 =	sand.u32 $0xFFFFFC00, s15  }
0xa5: {  	s2 =	sadd.s32 s2, s16  }
0xa6: {  	s2 =	sshrl.u32 s2, $0x3;
	v8 =	vand.u32 $0x7FFFFFFF, v8  }
0xa7: {  	s2 =	sadd.s32 s1, s2;
	[tilespmem:v9+s24+$0x0] =	vst.idx.add.f32.msk $0xffff, v8  }
0xa8: {  	[tilespmem:s0], [sflag:$0x2] =	stream.linear.gather [hbm4b:s2+s3], $0x400, $0x38;
	[tilespmem:$0xD800] =	vst v63  }
0xa9: {  	s5 =	sadd.s32 $0x40, s15;
	s2 =	sadd.s32 $0x4400, s16  }
.LBB2_12:
0xaa: {  	s7 =	sand.u32 $0xFFFFFC00, s5;
	p0 =	sne.s32 s31, $0x640;
	s31 =	sadd.s32 $0x40, s31  }
.Ltmp5:
0xab: {  	s7 =	sadd.s32 s7, s2;
	(pc) =	sbr.rel @p0 .LBB2_12-.Ltmp5, $4  }
0xac: {  	s7 =	sshrl.u32 s7, $0x3  }
0xad: {  	s0 =	sadd.s32 $0x400, s0;
	s7 =	sadd.s32 s1, s7  }
0xae: {  	[tilespmem:s0], [sflag:$0x2] =	stream.linear.gather [hbm4b:s7+s3], $0x400, $0x38;
	[tilespmem:$0xD800] =	vst v63  }
0xaf: {  	s5 =	sadd.s32 $0x40, s5;
	s2 =	sadd.s32 $0x4400, s2  }
0xb0: {  	v8 =	vor.u32 s17, v2  }
0xb1: {  	v9 =	vshrl.u32 v8, $0x3  }
0xb2: {  	_ =	swait.ge [sflag:s23], $0x6800;
	v9 =	vsub.s32 v9, v3  }
0xb3: {  	[sflag:s23] =	ssyncset.done $0x0;
	v8 =	vand.u32 $0x7F, v8;
	v9 =	vshll.u32 v9, $0xA  }
0xb4: {  	s0 =	simm.s32 $0x0;
	[sflag:s23] =	ssyncadd.s32 $0xFFFF9800;
	v8 =	vor.u32 v8, v9  }
0xb5: {  	v9 =	vld [tilespmem:s0+$0x1A0];
	v8 =	vor.u32 v7, v8;
	_ =	sdelay $0x3  }
0xb6: {  	s0 =	simm.s32 $0x480  }
0xb7: {  	s2 =	sadd.s32 $0x10, s17;
	v9 =	vshll.u32 v9, $0x4;
	v8 =	vld.idx.msk [tilespmem:v8+s0+$0x0], $0xffff  }
0xb8: {  	s31 =	simm.s32 $0x40;
	s29 =	simm.s32 $0x80;
	s5 =	simm.s32 $0x40;
	v10 =	vor.u32 s2, v2;
	v9 =	vor.u32 v2, v9  }
.LBB2_14:
0xb9: {  	p0 =	sne.s32 s29, $0x300;
	v11 =	vshrl.u32 v10, $0x3  }
0xba: {  	v11 =	vsub.s32 v11, v3  }
0xbb: {  	v10 =	vand.u32 $0x7F, v10;
	v11 =	vshll.u32 v11, $0xA  }
0xbc: {  	v8 =	vand.u32 $0x7FFFFFFF, v8;
	v10 =	vor.u32 v10, v11  }
0xbd: {  	s7 =	sshra.s32 s5, $0x2;
	s5 =	smov.u32 s29;
	v10 =	vor.u32 v7, v10;
	[tilespmem:v9+s24+$0x0] =	vst.idx.add.f32.msk $0xffff, v8  }
0xbe: {  	v9 =	vld [tilespmem:s7+$0x1A0];
	_ =	sdelay $0x1  }
.Ltmp6:
0xbf: {  	(pc) =	sbr.rel @p0 .LBB2_14-.Ltmp6, $4  }
0xc0: {  	_ = 	snop  }
0xc1: {  	v8 =	vld.idx.msk [tilespmem:v10+s0+$0x0], $0xffff  }
0xc2: {  	s2 =	sadd.s32 $0x10, s2;
	v9 =	vshll.u32 v9, $0x4  }
0xc3: {  	s29 =	sadd.s32 $0x40, s29;
	v10 =	vor.u32 s2, v2;
	v9 =	vor.u32 v2, v9  }
0xc4: {  	_ = 	snop  }
0xc5: {  	v11 =	vshrl.u32 v10, $0x3  }
0xc6: {  	v11 =	vsub.s32 v11, v3  }
0xc7: {  	v63 =	vand.u32 $0x7F, v10;
	v11 =	vshll.u32 v11, $0xA;
	v8 =	vand.u32 $0x7FFFFFFF, v8  }
0xc8: {  	s0 =	sshra.s32 s5, $0x2;
	v10 =	vor.u32 v63, v11;
	[tilespmem:v9+s24+$0x0] =	vst.idx.add.f32.msk $0xffff, v8  }
0xc9: {  	v8 =	vor.u32 v7, v10;
	v9 =	vld [tilespmem:s0+$0x1A0];
	_ =	sdelay $0x3  }
0xca: {  	s0 =	simm.s32 $0x480  }
0xcb: {  	v8 =	vld.idx.msk [tilespmem:v8+s0+$0x0], $0xffff;
	v9 =	vshll.u32 v9, $0x4  }
0xcc: {  	v9 =	vor.u32 v2, v9;
	_ =	sdelay $0x1  }
0xcd: {  	s2 =	sand.u32 $0xFFFFFC00, s18  }
0xce: {  	s2 =	sadd.s32 s2, s19  }
0xcf: {  	s2 =	sshrl.u32 s2, $0x3;
	v8 =	vand.u32 $0x7FFFFFFF, v8  }
0xd0: {  	s2 =	sadd.s32 s1, s2;
	[tilespmem:v9+s24+$0x0] =	vst.idx.add.f32.msk $0xffff, v8  }
0xd1: {  	[tilespmem:s0], [sflag:$0x1] =	stream.linear.gather [hbm4b:s2+s3], $0x400, $0x38;
	[tilespmem:$0xD800] =	vst v63  }
0xd2: {  	s5 =	sadd.s32 $0x40, s18;
	s2 =	sadd.s32 $0x4400, s19  }
.LBB2_16:
0xd3: {  	s7 =	sand.u32 $0xFFFFFC00, s5;
	p0 =	sne.s32 s31, $0x640;
	s31 =	sadd.s32 $0x40, s31  }
.Ltmp7:
0xd4: {  	s7 =	sadd.s32 s7, s2;
	(pc) =	sbr.rel @p0 .LBB2_16-.Ltmp7, $4  }
0xd5: {  	s7 =	sshrl.u32 s7, $0x3  }
0xd6: {  	s0 =	sadd.s32 $0x400, s0;
	s7 =	sadd.s32 s1, s7  }
0xd7: {  	[tilespmem:s0], [sflag:$0x1] =	stream.linear.gather [hbm4b:s7+s3], $0x400, $0x38;
	[tilespmem:$0xD800] =	vst v63  }
0xd8: {  	s5 =	sadd.s32 $0x40, s5;
	s2 =	sadd.s32 $0x4400, s2  }
0xd9: {  	v8 =	vor.u32 s20, v2  }
0xda: {  	v9 =	vshrl.u32 v8, $0x3  }
0xdb: {  	_ =	swait.ge [sflag:s25], $0x6800;
	v9 =	vsub.s32 v9, v4  }
0xdc: {  	[sflag:s25] =	ssyncset.done $0x0;
	v8 =	vand.u32 $0x7F, v8;
	v9 =	vshll.u32 v9, $0xA  }
0xdd: {  	s0 =	simm.s32 $0x0;
	[sflag:s25] =	ssyncadd.s32 $0xFFFF9800;
	v8 =	vor.u32 v8, v9  }
0xde: {  	v9 =	vld [tilespmem:s0+$0x270];
	v8 =	vor.u32 v7, v8;
	_ =	sdelay $0x4  }
0xdf: {  	s2 =	sadd.s32 $0x10, s20;
	v9 =	vshll.u32 v9, $0x4;
	v8 =	vld.idx.msk [tilespmem:v8+s26+$0x0], $0xffff  }
0xe0: {  	s5 =	simm.s32 $0x80;
	v10 =	vor.u32 s2, v2;
	s0 =	simm.s32 $0x40;
	v9 =	vor.u32 v2, v9  }
.LBB2_18:
0xe1: {  	p0 =	sne.s32 s5, $0x300;
	v11 =	vshrl.u32 v10, $0x3  }
0xe2: {  	v11 =	vsub.s32 v11, v4  }
0xe3: {  	v10 =	vand.u32 $0x7F, v10;
	v11 =	vshll.u32 v11, $0xA  }
0xe4: {  	v8 =	vand.u32 $0x7FFFFFFF, v8;
	v10 =	vor.u32 v10, v11  }
0xe5: {  	s7 =	sshra.s32 s0, $0x2;
	s0 =	smov.u32 s5;
	v10 =	vor.u32 v7, v10;
	[tilespmem:v9+s24+$0x0] =	vst.idx.add.f32.msk $0xffff, v8  }
0xe6: {  	v9 =	vld [tilespmem:s7+$0x270];
	_ =	sdelay $0x1  }
.Ltmp8:
0xe7: {  	(pc) =	sbr.rel @p0 .LBB2_18-.Ltmp8, $4  }
0xe8: {  	_ = 	snop  }
0xe9: {  	v8 =	vld.idx.msk [tilespmem:v10+s26+$0x0], $0xffff  }
0xea: {  	s2 =	sadd.s32 $0x10, s2;
	v9 =	vshll.u32 v9, $0x4  }
0xeb: {  	s5 =	sadd.s32 $0x40, s5;
	v10 =	vor.u32 s2, v2;
	v9 =	vor.u32 v2, v9  }
0xec: {  	_ = 	snop  }
0xed: {  	v11 =	vshrl.u32 v10, $0x3  }
0xee: {  	v11 =	vsub.s32 v11, v4  }
0xef: {  	v10 =	vand.u32 $0x7F, v10;
	v11 =	vshll.u32 v11, $0xA;
	v8 =	vand.u32 $0x7FFFFFFF, v8  }
0xf0: {  	s0 =	sshra.s32 s0, $0x2;
	v10 =	vor.u32 v10, v11;
	[tilespmem:v9+s24+$0x0] =	vst.idx.add.f32.msk $0xffff, v8  }
0xf1: {  	v8 =	vor.u32 v7, v10;
	v9 =	vld [tilespmem:s0+$0x270];
	_ =	sdelay $0x4  }
0xf2: {  	v8 =	vld.idx.msk [tilespmem:v8+s26+$0x0], $0xffff;
	v9 =	vshll.u32 v9, $0x4  }
0xf3: {  	v9 =	vor.u32 v2, v9;
	_ =	sdelay $0x3  }
0xf4: {  	v8 =	vand.u32 $0x7FFFFFFF, v8  }
0xf5: {  	[tilespmem:v9+s24+$0x0] =	vst.idx.add.f32.msk $0xffff, v8;
	v8 =	vor.u32 s21, v2  }
0xf6: {  	v9 =	vshrl.u32 v8, $0x3  }
0xf7: {  	_ =	swait.ge [sflag:s23], $0x6800;
	v9 =	vsub.s32 v9, v5  }
0xf8: {  	v8 =	vand.u32 $0x7F, v8;
	[sflag:s23] =	ssyncset.done $0x0;
	v9 =	vshll.u32 v9, $0xA  }
0xf9: {  	s29 =	simm.s32 $0x0;
	[sflag:s23] =	ssyncadd.s32 $0xFFFF9800;
	v8 =	vor.u32 v8, v9  }
0xfa: {  	v9 =	vld [tilespmem:s29+$0x340];
	v8 =	vor.u32 v7, v8;
	_ =	sdelay $0x4  }
0xfb: {  	s2 =	sadd.s32 $0x10, s21;
	v9 =	vshll.u32 v9, $0x4;
	v8 =	vld.idx.msk [tilespmem:v8+s28+$0x0], $0xffff  }
0xfc: {  	s31 =	simm.s32 $0x0;
	s5 =	simm.s32 $0x80;
	s0 =	simm.s32 $0x40;
	v10 =	vor.u32 s2, v2;
	v9 =	vor.u32 v2, v9  }
.LBB2_20:
0xfd: {  	p0 =	sne.s32 s5, $0x300;
	v11 =	vshrl.u32 v10, $0x3  }
0xfe: {  	v11 =	vsub.s32 v11, v5  }
0xff: {  	v10 =	vand.u32 $0x7F, v10;
	v11 =	vshll.u32 v11, $0xA  }
0x100: {  	v8 =	vand.u32 $0x7FFFFFFF, v8;
	v10 =	vor.u32 v10, v11  }
0x101: {  	s7 =	sshra.s32 s0, $0x2;
	s0 =	smov.u32 s5;
	v10 =	vor.u32 v7, v10;
	[tilespmem:v9+s24+$0x0] =	vst.idx.add.f32.msk $0xffff, v8  }
0x102: {  	v9 =	vld [tilespmem:s7+$0x340];
	_ =	sdelay $0x1  }
.Ltmp9:
0x103: {  	(pc) =	sbr.rel @p0 .LBB2_20-.Ltmp9, $4  }
0x104: {  	_ = 	snop  }
0x105: {  	v8 =	vld.idx.msk [tilespmem:v10+s28+$0x0], $0xffff  }
0x106: {  	s2 =	sadd.s32 $0x10, s2;
	v9 =	vshll.u32 v9, $0x4  }
0x107: {  	s5 =	sadd.s32 $0x40, s5;
	v10 =	vor.u32 s2, v2;
	v9 =	vor.u32 v2, v9  }
0x108: {  	_ = 	snop  }
0x109: {  	v11 =	vshrl.u32 v10, $0x3  }
0x10a: {  	v11 =	vsub.s32 v11, v5  }
0x10b: {  	v63 =	vand.u32 $0x7F, v10;
	v11 =	vshll.u32 v11, $0xA;
	v8 =	vand.u32 $0x7FFFFFFF, v8  }
0x10c: {  	s0 =	sshra.s32 s0, $0x2;
	v10 =	vor.u32 v63, v11;
	[tilespmem:v9+s24+$0x0] =	vst.idx.add.f32.msk $0xffff, v8  }
0x10d: {  	v8 =	vor.u32 v7, v10;
	v9 =	vld [tilespmem:s0+$0x340];
	_ =	sdelay $0x4  }
0x10e: {  	v8 =	vld.idx.msk [tilespmem:v8+s28+$0x0], $0xffff;
	v9 =	vshll.u32 v9, $0x4  }
0x10f: {  	v9 =	vor.u32 v2, v9;
	_ =	sdelay $0x3  }
0x110: {  	v8 =	vand.u32 $0x7FFFFFFF, v8  }
0x111: {  	[tilespmem:v9+s24+$0x0] =	vst.idx.add.f32.msk $0xffff, v8  }
.LBB2_22:
0x112: {  	s0 =	sshll.u32 s31, $0x8  }
0x113: {  	s2 =	simm.s32 $0x0;
	s0 =	sand.u32 $0x3FFFFF00, s0  }
0x114: {  	s5 =	sand.u32 $0x80, s2;
	s0 =	sadd.s32 $0xD480, s0  }
0x115: {  	s9 =	sand.u32 $0x70, s2;
	s5 =	sadd.s32 s5, s0  }
0x116: {  	s5 =	sadd.s32 s9, s5  }
0x117: {  	v8 =	vld [tilespmem:s5+$0x0]  }
0x118: {  	s7 =	simm.s32 $0x10  }
0x119: {  	s29 =	sand.u32 $0x80, s7  }
0x11a: {  	s7 =	sand.u32 $0x70, s7;
	s12 =	sadd.s32 s29, s0  }
0x11b: {  	s9 =	sadd.s32 s7, s12  }
0x11c: {  	v9 =	vld [tilespmem:s9+$0x0];
	(xrf2) =	vadd.scan.msk.f32 $0xffff, v8;
	_ =	sdelay $0x2  }
0x11d: {  	s10 =	simm.s32 $0x20  }
0x11e: {  	s11 =	sand.u32 $0x80, s10  }
0x11f: {  	s7 =	sadd.s32 s11, s0;
	s5 =	sand.u32 $0x70, s10;
	(xrf2) =	vadd.scan.msk.f32 $0xffff, v9  }
0x120: {  	s12 =	sadd.s32 s5, s7  }
0x121: {  	s29 =	simm.s32 $0x1;
	v9 =	vld [tilespmem:s12+$0x0]  }
0x122: {  	s9 =	simm.s32 $0x30;
	s5 =	simm.s32 $0x2;
	s7 =	simm.s32 $0x3;
	v8 =	vimm.f32 $0.0e+00  }
.LBB2_23:
0x123: {  	s10 =	sand.u32 $0x80, s9  }
0x124: {  	p0 =	sne.s32 s7, $0xF;
	v10, _, _ =	vpop (xrf2);
	s11 =	smov.u32 s7;
	s7 =	sadd.s32 $0x1, s7  }
.Ltmp10:
0x125: {  	s12 =	sand.u32 $0x70, s9;
	v11 =	vmov s2;
	s10 =	sadd.s32 s10, s0;
	v10 =	vbroadcast v10, $0xF;
	(pc) =	sbr.rel @p0 .LBB2_23-.Ltmp10, $3  }
0x126: {  	s2 =	smov.u32 s29;
	s29 =	smov.u32 s5;
	vm0 =	veq.s32 v11, v2;
	s10 =	sadd.s32 s12, s10;
	(xrf2) =	vadd.scan.msk.f32 $0xffff, v9  }
0x127: {  	s5 =	smov.u32 s11;
	v9 =	vld [tilespmem:s10+$0x0];
	v8 =	vsel vm0, v10, v8;
	_ =	sdelay $0x1  }
0x128: {  	s9 =	sadd.s32 $0x10, s9  }
0x129: {  	_ =	sdelay $0x1  }
0x12a: {  	(xrf2) =	vadd.scan.msk.f32 $0xffff, v9;
	_ =	sdelay $0x7  }
0x12b: {  	v60, _, _ =	vpop (xrf2);
	s0 =	sshll.u32 s31, $0x4;
	s31 =	sadd.s32 $0x1, s31  }
0x12c: {  	v10 =	vmov s2;
	v62 =	vmov s29;
	p0 =	sne.s32 s31, $0x3;
	v9 =	vbroadcast v60, $0xF;
	v61, _, _ =	vpop (xrf2)  }
.Ltmp11:
0x12d: {  	v63 =	vmov s5;
	vm0 =	veq.s32 v10, v2;
	v10 =	vbroadcast v61, $0xF;
	v11, _, _ =	vpop (xrf2);
	(pc) =	sbr.rel @p0 .LBB2_22-.Ltmp11, $4  }
0x12e: {  	vm14 =	veq.s32 v62, v2;
	v8 =	vsel vm0, v9, v8;
	v11 =	vbroadcast v11, $0xF  }
0x12f: {  	vm15 =	veq.s32 v63, v2;
	v8 =	vsel vm14, v10, v8  }
0x130: {  	s0 =	sand.u32 $0x3FFFFFF0, s0;
	v8 =	vsel vm15, v11, v8  }
0x131: {  	[tilespmem:s0+$0xD780] =	vst v8  }
0x132: {  	s0 =	rddreg [dreg:$0x5];
	s2 =	simm.s32 $0xD780  }
0x133: {  	[hbm4b:s0+s3] =	stream.linear.scatter [tilespmem:s2], [sflag:$0x3], $0x80, $0x38;
	[tilespmem:$0xD800] =	vst v63  }
0x134: {  	_ =	swait.ge [sflag:s22], $0x80  }
0x135: {  	s30 =	sadd.s32 $0x1, s30;
	s31 =	rddreg [dreg:$0x6]  }
0x136: {  	p0 =	sne.s32 s30, s31  }
.Ltmp12:
0x137: {  	_ = 	snop;
	(pc) =	sbr.rel @p0 .LBB2_1-.Ltmp12, $3  }
0x138: {  	_ =	sdelay $0x1  }
0x139: {  	[sflag:s22] =	ssyncset.done $0x0  }
0x13a: {  	[sflag:s22] =	ssyncadd.s32 $0xFFFFFF80  }
0x13b: {  	_ =	sfence.sel $0x180000  }
0x13c: {  	[bflag:$0x0] =	sbarrier.arrive $0xFFFF  }
0x13d: {  	_ =	strace $0x90000047  }
0x13e: {  	s0 =	stileid.u32;
	[bflag:$0x2] =	sbarrier.arrive $0xFFFF  }
0x13f: {  	p0 =	sne.s32 s0, $0x0;
	s0 =	rddreg [dreg:$0x3]  }
0x140: {  	s0 =	sadd.s32 @!p0 $0x100000, s0  }
0x141: {  	[sflag:s0] =	ssyncadd.tile.s32 @!p0 $0x1;
	_ =	shalt  }
.Lfunc_end2:
_tile_overlayer_lowered:
.L_overlay_start_2:
0x142: {  	(tag) =	ssettag $0x2  }
0x143: {  	s0 =	rddreg [dreg:$0x0];
	s2 =	stileid.u32  }
0x144: {  	s1 =	rddreg [dreg:$0x1];
	p0 =	sne.s32 s2, $0x0  }
0x145: {  	s3 =	rddreg [dreg:$0x2];
	[bflag:$0x3] =	sbarrier.arrive $0xFFFF;
	s2 =	simm.s32 @!p0 $0x1C03  }
0x146: {  	[timem:s3], [sflag:s2] =	dma.local @!p0 [hbm:s0], s1  }
0x147: {  	s0 =	simm.s32 @!p0 $0x3  }
0x148: {  	_ =	swait.ge @!p0 [sflag:s0], s1  }
0x149: {  	s1 =	ssub.s32 @!p0 $0x0, s1;
	[sflag:s0] =	ssyncset.done @!p0 $0x0  }
0x14a: {  	[sflag:s0] =	ssyncadd.s32 @!p0 s1  }
0x14b: {  	[bflag:$0x3] =	sbarrier.arrive $0xFFFF  }
0x14c: {  	_ =	shalt  }

</sc_bundles>
